<compile_context>
chip_gen: v7x
topology: tpu7x:2x2x1
jax: 0.10.2.dev20260603
libtpu: 0.0.44.dev20260713+nightly
codegen_flags: <defaults>
</compile_context>

<pallas_src>
import jax
import jax.numpy as jnp
from jax.experimental import pallas as pl
from jax.experimental.pallas import tpu as pltpu
from jax.experimental.pallas import tpu_sc as plsc

B, D_IN, D_P, P, K0, K1 = 4096, 2048, 1024, 16, 64, 128
BLK = 512
GW = 128


def _ln(x, eps=1e-5):
    m = jnp.mean(x, axis=-1, keepdims=True)
    v = jnp.mean((x - m) ** 2, axis=-1, keepdims=True)
    return (x - m) / jnp.sqrt(v + eps)


def _pack_bf16_pair(lo, hi):
    li = jax.lax.bitcast_convert_type(lo, jnp.int32)
    hj = jax.lax.bitcast_convert_type(hi, jnp.int32)
    li = li + 0x7FFF + ((li >> 16) & 1)
    hj = hj + 0x7FFF + ((hj >> 16) & 1)
    return (hj & (-65536)) | ((li >> 16) & 0xFFFF)


def _unpack_bf16_pair(w):
    lo = jax.lax.bitcast_convert_type(jax.lax.shift_left(w, 16), jnp.float32)
    hi = jax.lax.bitcast_convert_type(w & (-65536), jnp.float32)
    return lo, hi


def _dot(a, b):
    return jax.lax.dot_general(
        a, b, (((1,), (0,)), ((), ())),
        preferred_element_type=jnp.float32)


def _main_body(x_ref, wpT_ref, bp_ref, wcT_ref, bc_ref, wparT_ref, bpar_ref,
               w0Tlo_ref, b0lo_ref, w0Thi_ref, b0hi_ref,
               w1Tlo_ref, b1lo_ref, w1Thi_ref, b1hi_ref,
               pp_ref, cp_ref, pl_ref, idx_ref, idxq_ref, idxp_ref,
               l0_ref, l1_ref):
    i = pl.program_id(0)
    xb = x_ref[...].astype(jnp.bfloat16)
    pp = _ln(_dot(xb, wpT_ref[...]) + bp_ref[...])
    pp_ref[...] = pp
    cp = _ln(_dot(xb, wcT_ref[...]) + bc_ref[...])
    cp_ref[...] = cp
    z = _dot(pp.astype(jnp.bfloat16), wparT_ref[...]) + bpar_ref[...]
    pl_ref[...] = _ln(z)
    mx = jnp.max(z, axis=1, keepdims=True)
    cols = jax.lax.broadcasted_iota(jnp.int32, z.shape, 1)
    pc = jnp.min(jnp.where(z >= mx, cols, P), axis=1, keepdims=True)
    rows = i * BLK + jax.lax.broadcasted_iota(jnp.int32, (BLK, 1), 0)
    idx = rows * P + pc
    idx_ref[...] = idx
    idxq_ref[...] = idx >> 2
    idxp_ref[...] = idx >> 1
    cpb = cp.astype(jnp.bfloat16)
    l0lo = _dot(cpb, w0Tlo_ref[...]) + b0lo_ref[...]
    l0hi = _dot(cpb, w0Thi_ref[...]) + b0hi_ref[...]
    l0_ref[...] = _pack_bf16_pair(l0lo, l0hi)
    l1lo = _dot(cpb, w1Tlo_ref[...]) + b1lo_ref[...]
    l1hi = _dot(cpb, w1Thi_ref[...]) + b1hi_ref[...]
    l1_ref[...] = _pack_bf16_pair(l1lo, l1hi)


def _ln_body(g0_ref, g1_ref, idx_ref, c0_ref, c1_ref):
    idx = idx_ref[...]
    g0 = g0_ref[...]
    q = idx & 3
    H0 = K0 // 2
    gq = jnp.where(
        q < 2,
        jnp.where(q == 0, g0[:, :H0], g0[:, H0:2 * H0]),
        jnp.where(q == 2, g0[:, 2 * H0:3 * H0], g0[:, 3 * H0:]),
    )
    lo0, hi0 = _unpack_bf16_pair(gq)
    c0_ref[...] = _ln(jnp.concatenate([lo0, hi0], axis=1))
    g1 = g1_ref[...]
    H1 = K1 // 2
    odd = (idx & 1) == 1
    gh = jnp.where(odd, g1[:, H1:], g1[:, :H1])
    lo1, hi1 = _unpack_bf16_pair(gh)
    c1_ref[...] = _ln(jnp.concatenate([lo1, hi1], axis=1))


def _sc_gather(l0v, l1v, idx0, idx1):
    mesh = plsc.VectorSubcoreMesh(core_axis_name="c", subcore_axis_name="s")

    @pl.kernel(
        out_type=[jax.ShapeDtypeStruct((B, 128), jnp.int32),
                  jax.ShapeDtypeStruct((B, 128), jnp.int32)],
        mesh=mesh)
    def gather_kernel(l0_hbm, l1_hbm, i0_hbm, i1_hbm, o0_hbm, o1_hbm):
        def body(i0_vmem, i1_vmem, o0_vmem, o1_vmem):
            pltpu.sync_copy(l0_hbm.at[i0_vmem.at[0]], o0_vmem)
            pltpu.sync_copy(l1_hbm.at[i1_vmem.at[0]], o1_vmem)

        pltpu.emit_pipeline(
            body,
            grid=(B // GW,),
            in_specs=[pl.BlockSpec((1, GW), index_map=lambda i: (0, i)),
                      pl.BlockSpec((1, GW), index_map=lambda i: (0, i))],
            out_specs=[pl.BlockSpec((GW, 128), index_map=lambda i: (i, 0)),
                       pl.BlockSpec((GW, 128), index_map=lambda i: (i, 0))],
            core_axis_name=("c", "s"),
            dimension_semantics=(pltpu.PARALLEL,),
        )(i0_hbm, i1_hbm, o0_hbm, o1_hbm)

    return gather_kernel(l0v, l1v, idx0, idx1)


def kernel(x, Wp, bp, Wc, bc, Wpar, bpar, W0, b0, W1, b1, device):
    f32 = jnp.float32
    bf16 = jnp.bfloat16
    wpT = Wp.T.astype(bf16)
    wcT = Wc.T.astype(bf16)
    wparT = Wpar.T.astype(bf16)
    w0T = W0.reshape(P * K0, D_P).T.astype(bf16).reshape(D_P, P, 2, K0 // 2)
    w0Tlo = w0T[:, :, 0, :].reshape(D_P, P * K0 // 2)
    w0Thi = w0T[:, :, 1, :].reshape(D_P, P * K0 // 2)
    b0r = b0.reshape(P, 2, K0 // 2)
    b0lo = b0r[:, 0, :].reshape(1, P * K0 // 2)
    b0hi = b0r[:, 1, :].reshape(1, P * K0 // 2)
    w1T = W1.reshape(P * K1, D_P).T.astype(bf16).reshape(D_P, P, 2, K1 // 2)
    w1Tlo = w1T[:, :, 0, :].reshape(D_P, P * K1 // 2)
    w1Thi = w1T[:, :, 1, :].reshape(D_P, P * K1 // 2)
    b1r = b1.reshape(P, 2, K1 // 2)
    b1lo = b1r[:, 0, :].reshape(1, P * K1 // 2)
    b1hi = b1r[:, 1, :].reshape(1, P * K1 // 2)

    pp, cp, parent_logits, idx, idxq, idxp, l0, l1 = pl.pallas_call(
        _main_body,
        grid=(B // BLK,),
        in_specs=[
            pl.BlockSpec((BLK, D_IN), lambda i: (i, 0)),
            pl.BlockSpec((D_IN, D_P), lambda i: (0, 0)),
            pl.BlockSpec((1, D_P), lambda i: (0, 0)),
            pl.BlockSpec((D_IN, D_P), lambda i: (0, 0)),
            pl.BlockSpec((1, D_P), lambda i: (0, 0)),
            pl.BlockSpec((D_P, P), lambda i: (0, 0)),
            pl.BlockSpec((1, P), lambda i: (0, 0)),
            pl.BlockSpec((D_P, P * K0 // 2), lambda i: (0, 0)),
            pl.BlockSpec((1, P * K0 // 2), lambda i: (0, 0)),
            pl.BlockSpec((D_P, P * K0 // 2), lambda i: (0, 0)),
            pl.BlockSpec((1, P * K0 // 2), lambda i: (0, 0)),
            pl.BlockSpec((D_P, P * K1 // 2), lambda i: (0, 0)),
            pl.BlockSpec((1, P * K1 // 2), lambda i: (0, 0)),
            pl.BlockSpec((D_P, P * K1 // 2), lambda i: (0, 0)),
            pl.BlockSpec((1, P * K1 // 2), lambda i: (0, 0)),
        ],
        out_specs=[pl.BlockSpec((BLK, D_P), lambda i: (i, 0)),
                   pl.BlockSpec((BLK, D_P), lambda i: (i, 0)),
                   pl.BlockSpec((BLK, P), lambda i: (i, 0)),
                   pl.BlockSpec((BLK, 1), lambda i: (i, 0)),
                   pl.BlockSpec((BLK, 1), lambda i: (i, 0)),
                   pl.BlockSpec((BLK, 1), lambda i: (i, 0)),
                   pl.BlockSpec((BLK, P * K0 // 2), lambda i: (i, 0)),
                   pl.BlockSpec((BLK, P * K1 // 2), lambda i: (i, 0))],
        out_shape=[jax.ShapeDtypeStruct((B, D_P), f32),
                   jax.ShapeDtypeStruct((B, D_P), f32),
                   jax.ShapeDtypeStruct((B, P), f32),
                   jax.ShapeDtypeStruct((B, 1), jnp.int32),
                   jax.ShapeDtypeStruct((B, 1), jnp.int32),
                   jax.ShapeDtypeStruct((B, 1), jnp.int32),
                   jax.ShapeDtypeStruct((B, P * K0 // 2), jnp.int32),
                   jax.ShapeDtypeStruct((B, P * K1 // 2), jnp.int32)],
    )(x, wpT, bp.reshape(1, D_P), wcT, bc.reshape(1, D_P),
      wparT, bpar.reshape(1, P),
      w0Tlo, b0lo, w0Thi, b0hi, w1Tlo, b1lo, w1Thi, b1hi)

    g0i, g1i = _sc_gather(l0.reshape(B * 4, 128), l1.reshape(B * 8, 128),
                          idxq.reshape(1, B), idxp.reshape(1, B))

    c0, c1 = pl.pallas_call(
        _ln_body,
        grid=(B // BLK,),
        in_specs=[pl.BlockSpec((BLK, 128), lambda i: (i, 0)),
                  pl.BlockSpec((BLK, 128), lambda i: (i, 0)),
                  pl.BlockSpec((BLK, 1), lambda i: (i, 0))],
        out_specs=[pl.BlockSpec((BLK, K0), lambda i: (i, 0)),
                   pl.BlockSpec((BLK, K1), lambda i: (i, 0))],
        out_shape=[jax.ShapeDtypeStruct((B, K0), f32),
                   jax.ShapeDtypeStruct((B, K1), f32)],
    )(g0i, g1i, idx)

    return (parent_logits, c0, c1, pp, cp)

# --- scband reference (transcript-rebuilt; emitter-appended) ---
"""Pipeline reference for scband-jehierarchical-classifier-66769561584339 (READ-ONLY COPY).

The authoritative reference and input builder live on the scoring server;
editing this copy changes nothing except your own understanding.
"""

import jax, jax.numpy as jnp
import numpy as np

B, D_IN, D_P, P, K0, K1 = 4096, 2048, 1024, 16, 64, 128

def _ln(x, eps=1e-5):
    m = jnp.mean(x, axis=-1, keepdims=True)
    v = jnp.mean((x - m) ** 2, axis=-1, keepdims=True)
    return (x - m) / jnp.sqrt(v + eps)

def setup_inputs(seed: int = 0) -> dict:
    key = jax.random.key(seed)
    ks = jax.random.split(key, 8)
    x = jax.random.normal(ks[0], (B, D_IN), dtype=jnp.float32)
    Wp = jax.random.normal(ks[1], (D_P, D_IN), dtype=jnp.float32) * 2e-5
    bp = jnp.zeros((D_P,), jnp.float32)
    Wc = jax.random.normal(ks[2], (D_P, D_IN), dtype=jnp.float32) * 2e-5
    bc = jnp.zeros((D_P,), jnp.float32)
    Wpar = jax.random.normal(ks[3], (P, D_P), dtype=jnp.float32) * 2e-5
    bpar = jnp.zeros((P,), jnp.float32)
    W0 = jax.random.normal(ks[4], (P, K0, D_P), dtype=jnp.float32) * 2e-5
    b0 = jnp.zeros((P, K0), jnp.float32)
    W1 = jax.random.normal(ks[5], (P, K1, D_P), dtype=jnp.float32) * 2e-5
    b1 = jnp.zeros((P, K1), jnp.float32)
    return {"x": x, "Wp": Wp, "bp": bp, "Wc": Wc, "bc": bc, "Wpar": Wpar, "bpar": bpar, "W0": W0, "b0": b0, "W1": W1, "b1": b1, "device": 0}

def reference(x, Wp, bp, Wc, bc, Wpar, bpar, W0, b0, W1, b1, device=0):
    # head_drop has p=drop_path=0.0 -> identity
    parent_proj_emb = _ln(x @ Wp.T + bp)
    child_proj_emb = _ln(x @ Wc.T + bc)
    parent_logits = _ln(parent_proj_emb @ Wpar.T + bpar)
    parent_probs = jax.nn.softmax(parent_logits, axis=1)
    parent_class = jnp.argmax(parent_probs, axis=1)
    def level(W, b):
        Wsel = jnp.take(W, parent_class, axis=0)  # [B, K, D_P] expert gather
        bsel = jnp.take(b, parent_class, axis=0)  # [B, K]
        logits = jnp.einsum('bd,bkd->bk', child_proj_emb, Wsel) + bsel
        return _ln(logits)
    c0 = level(W0, b0)
    c1 = level(W1, b1)
    return (parent_logits, c0, c1, parent_proj_emb, child_proj_emb)

if __name__ == "__main__":
    import jax
    _d = setup_inputs()
    print(jax.jit(kernel)(*tuple(_d.values())))

</pallas_src>

<mosaic_0001>
#map = affine_map<(d0, d1) -> (0, 0)>
module attributes {stable_mosaic.version = 14 : i64} {
  func.func @gather_kernel(%arg0: i32, %arg1: i32, %arg2: memref<16384x128xi32, #tpu.memory_space<hbm>>, %arg3: memref<32768x128xi32, #tpu.memory_space<hbm>>, %arg4: memref<1x4096xi32, #tpu.memory_space<hbm>>, %arg5: memref<1x4096xi32, #tpu.memory_space<hbm>>, %arg6: memref<4096x128xi32, #tpu.memory_space<hbm>>, %arg7: memref<4096x128xi32, #tpu.memory_space<hbm>>) attributes {dimension_semantics = [#tpu.dimension_semantics<core_parallel>, #tpu.dimension_semantics<subcore_parallel>], iteration_bounds = array<i64: 2, 16>, scalar_prefetch = 0 : i64, scratch_operands = 0 : i64, tpu.core_type = #tpu.core_type<sc_vector_subcore>, window_params = [{transform_indices = #map}, {transform_indices = #map}, {transform_indices = #map}, {transform_indices = #map}, {transform_indices = #map}, {transform_indices = #map}]} {
    %mul3A = arith.constant 1 : i32
    %mul3A_0 = arith.muli %arg1, %mul3A : i32
    %add3A = arith.constant 0 : i32
    %add3A_1 = arith.addi %add3A, %mul3A_0 : i32
    %mul3A_2 = arith.constant 16 : i32
    %mul3A_3 = arith.muli %arg0, %mul3A_2 : i32
    %add3A_4 = arith.addi %add3A_1, %mul3A_3 : i32
    %mul3A_5 = arith.constant 1 : i32
    %mul3A_6 = arith.muli %add3A_4, %mul3A_5 : i32
    "tpu.region"() ({
      %run_scoped3A = memref.alloca() : memref<2x1x128xi32, #tpu.memory_space<vmem>>
      %run_scoped3A_7 = tpu.sem_alloc : memref<2x!tpu.dma_semaphore, #tpu.memory_space<semaphore_mem>>
      %run_scoped3A_8 = memref.alloca() : memref<2x1x128xi32, #tpu.memory_space<vmem>>
      %run_scoped3A_9 = tpu.sem_alloc : memref<2x!tpu.dma_semaphore, #tpu.memory_space<semaphore_mem>>
      %run_scoped3A_10 = memref.alloca() : memref<2x128x128xi32, #tpu.memory_space<vmem>>
      %run_scoped3A_11 = tpu.sem_alloc : memref<2x!tpu.dma_semaphore, #tpu.memory_space<semaphore_mem>>
      %run_scoped3A_12 = memref.alloca() : memref<2x128x128xi32, #tpu.memory_space<vmem>>
      %run_scoped3A_13 = tpu.sem_alloc : memref<2x!tpu.dma_semaphore, #tpu.memory_space<semaphore_mem>>
      %add3A_14 = arith.constant 0 : i32
      %add3A_15 = arith.addi %add3A_14, %mul3A_6 : i32
      %select_n3A = arith.constant true
      %select_n3A_16 = arith.constant 0 : i32
      %select_n3A_17 = arith.constant -1 : i32
      %select_n3A_18 = arith.select %select_n3A, %select_n3A_17, %select_n3A_16 : i32
      %eq3A = arith.constant -1 : i32
      %eq3A_19 = arith.cmpi eq, %select_n3A_18, %eq3A : i32
      %select_n3A_20 = arith.constant 0 : i32
      %select_n3A_21 = arith.select %eq3A_19, %select_n3A_20, %select_n3A_18 : i32
      %add3A_22 = arith.constant 0 : i32
      %add3A_23 = arith.addi %add3A_22, %mul3A_6 : i32
      %select_n3A_24 = arith.constant true
      %select_n3A_25 = arith.constant 0 : i32
      %select_n3A_26 = arith.constant 1 : i32
      %select_n3A_27 = arith.select %select_n3A_24, %select_n3A_26, %select_n3A_25 : i32
      %eq3A_28 = arith.constant 1 : i32
      %eq3A_29 = arith.cmpi eq, %select_n3A_27, %eq3A_28 : i32
      %select_n3A_30 = arith.constant 0 : i32
      %select_n3A_31 = arith.select %eq3A_29, %select_n3A_30, %select_n3A_27 : i32
      %add3A_32 = arith.constant 0 : i32
      %add3A_33 = arith.addi %add3A_32, %mul3A_6 : i32
      %select_n3A_34 = arith.constant true
      %select_n3A_35 = arith.constant 0 : i32
      %select_n3A_36 = arith.constant 1 : i32
      %select_n3A_37 = arith.select %select_n3A_34, %select_n3A_36, %select_n3A_35 : i32
      %eq3A_38 = arith.constant 1 : i32
      %eq3A_39 = arith.cmpi eq, %select_n3A_37, %eq3A_38 : i32
      %select_n3A_40 = arith.constant 0 : i32
      %select_n3A_41 = arith.select %eq3A_39, %select_n3A_40, %select_n3A_37 : i32
      %add3A_42 = arith.constant 0 : i32
      %add3A_43 = arith.addi %add3A_42, %mul3A_6 : i32
      "tpu.trace_start"() <{level = 10 : i32, message = "ep_initialize_0"}> : () -> ()
      %rem3A = arith.constant 0 : i32
      %rem3A_44 = arith.constant 2 : i32
      %rem3A_45 = arith.remui %rem3A, %rem3A_44 : i32
      %mul3A_46 = arith.constant 128 : i32
      %mul3A_47 = arith.muli %mul3A_46, %add3A_15 : i32
      %dma_start3A = arith.constant 0 : i32
      %dma_start3A_48 = arith.constant 0 : i32
      %dma_start3A_49 = tpu.memref_slice %run_scoped3A[%rem3A_45, %dma_start3A, %dma_start3A_48] : memref<2x1x128xi32, #tpu.memory_space<vmem>> -> memref<1x1x128xi32, #tpu.memory_space<vmem>>
      %dma_start3A_50 = tpu.memref_squeeze %dma_start3A_49 : memref<1x1x128xi32, #tpu.memory_space<vmem>> -> memref<1x128xi32, #tpu.memory_space<vmem>>
      %dma_start3A_51 = arith.constant 0 : i32
      %dma_start3A_52 = tpu.memref_slice %arg4[%dma_start3A_51, %mul3A_47] : memref<1x4096xi32, #tpu.memory_space<hbm>> -> memref<1x128xi32, #tpu.memory_space<hbm>>
      %dma_start3A_53 = tpu.memref_slice %run_scoped3A_7[%rem3A_45] : memref<2x!tpu.dma_semaphore, #tpu.memory_space<semaphore_mem>> -> memref<1x!tpu.dma_semaphore, #tpu.memory_space<semaphore_mem>>
      %dma_start3A_54 = tpu.memref_squeeze %dma_start3A_53 : memref<1x!tpu.dma_semaphore, #tpu.memory_space<semaphore_mem>> -> memref<!tpu.dma_semaphore, #tpu.memory_space<semaphore_mem>>
      %dma_start3A_55 = arith.constant 0 : i32
      %dma_start3A_56 = arith.constant 0 : i32
      %dma_start3A_57 = tpu.memref_slice %run_scoped3A[%rem3A_45, %dma_start3A_55, %dma_start3A_56] : memref<2x1x128xi32, #tpu.memory_space<vmem>> -> memref<1x1x128xi32, #tpu.memory_space<vmem>>
      %dma_start3A_58 = tpu.memref_squeeze %dma_start3A_57 : memref<1x1x128xi32, #tpu.memory_space<vmem>> -> memref<1x128xi32, #tpu.memory_space<vmem>>
      %dma_start3A_59 = arith.constant 0 : i32
      %dma_start3A_60 = tpu.memref_slice %arg4[%dma_start3A_59, %mul3A_47] : memref<1x4096xi32, #tpu.memory_space<hbm>> -> memref<1x128xi32, #tpu.memory_space<hbm>>
      tpu.enqueue_dma source(%dma_start3A_60 : memref<1x128xi32, #tpu.memory_space<hbm>>) target(%dma_start3A_58 : memref<1x128xi32, #tpu.memory_space<vmem>>) target_semaphore(%dma_start3A_54 : memref<!tpu.dma_semaphore, #tpu.memory_space<semaphore_mem>>)
      %add3A_61 = arith.constant 0 : i32
      %add3A_62 = arith.constant 1 : i32
      %add3A_63 = arith.addi %add3A_61, %add3A_62 : i32
      %select_n3A_64 = arith.constant true
      %select_n3A_65 = arith.constant 0 : i32
      %select_n3A_66 = arith.select %select_n3A_64, %add3A_63, %select_n3A_65 : i32
      %rem3A_67 = arith.constant 0 : i32
      %rem3A_68 = arith.constant 2 : i32
      %rem3A_69 = arith.remui %rem3A_67, %rem3A_68 : i32
      %mul3A_70 = arith.constant 128 : i32
      %mul3A_71 = arith.muli %mul3A_70, %add3A_15 : i32
      %dma_start3A_72 = arith.constant 0 : i32
      %dma_start3A_73 = arith.constant 0 : i32
      %dma_start3A_74 = tpu.memref_slice %run_scoped3A_8[%rem3A_69, %dma_start3A_72, %dma_start3A_73] : memref<2x1x128xi32, #tpu.memory_space<vmem>> -> memref<1x1x128xi32, #tpu.memory_space<vmem>>
      %dma_start3A_75 = tpu.memref_squeeze %dma_start3A_74 : memref<1x1x128xi32, #tpu.memory_space<vmem>> -> memref<1x128xi32, #tpu.memory_space<vmem>>
      %dma_start3A_76 = arith.constant 0 : i32
      %dma_start3A_77 = tpu.memref_slice %arg5[%dma_start3A_76, %mul3A_71] : memref<1x4096xi32, #tpu.memory_space<hbm>> -> memref<1x128xi32, #tpu.memory_space<hbm>>
      %dma_start3A_78 = tpu.memref_slice %run_scoped3A_9[%rem3A_69] : memref<2x!tpu.dma_semaphore, #tpu.memory_space<semaphore_mem>> -> memref<1x!tpu.dma_semaphore, #tpu.memory_space<semaphore_mem>>
      %dma_start3A_79 = tpu.memref_squeeze %dma_start3A_78 : memref<1x!tpu.dma_semaphore, #tpu.memory_space<semaphore_mem>> -> memref<!tpu.dma_semaphore, #tpu.memory_space<semaphore_mem>>
      %dma_start3A_80 = arith.constant 0 : i32
      %dma_start3A_81 = arith.constant 0 : i32
      %dma_start3A_82 = tpu.memref_slice %run_scoped3A_8[%rem3A_69, %dma_start3A_80, %dma_start3A_81] : memref<2x1x128xi32, #tpu.memory_space<vmem>> -> memref<1x1x128xi32, #tpu.memory_space<vmem>>
      %dma_start3A_83 = tpu.memref_squeeze %dma_start3A_82 : memref<1x1x128xi32, #tpu.memory_space<vmem>> -> memref<1x128xi32, #tpu.memory_space<vmem>>
      %dma_start3A_84 = arith.constant 0 : i32
      %dma_start3A_85 = tpu.memref_slice %arg5[%dma_start3A_84, %mul3A_71] : memref<1x4096xi32, #tpu.memory_space<hbm>> -> memref<1x128xi32, #tpu.memory_space<hbm>>
      tpu.enqueue_dma source(%dma_start3A_85 : memref<1x128xi32, #tpu.memory_space<hbm>>) target(%dma_start3A_83 : memref<1x128xi32, #tpu.memory_space<vmem>>) target_semaphore(%dma_start3A_79 : memref<!tpu.dma_semaphore, #tpu.memory_space<semaphore_mem>>)
      %add3A_86 = arith.constant 0 : i32
      %add3A_87 = arith.constant 1 : i32
      %add3A_88 = arith.addi %add3A_86, %add3A_87 : i32
      %select_n3A_89 = arith.constant true
      %select_n3A_90 = arith.constant 0 : i32
      %select_n3A_91 = arith.select %select_n3A_89, %add3A_88, %select_n3A_90 : i32
      "tpu.trace_stop"() : () -> ()
      %scan3A = arith.constant 0 : i32
      %scan3A_92 = arith.constant 0 : i32
      %scan3A_93 = arith.constant 0 : i32
      %scan3A_94 = arith.constant 0 : i32
      %scan3A_95 = arith.constant 0 : i32
      %scan3A_96 = arith.constant 0 : i32
      %scan3A_97 = arith.constant 0 : i32
      %scan3A_98 = arith.constant 0 : i32
      %eq3A_99 = arith.constant 0 : i32
      %eq3A_100 = arith.cmpi eq, %scan3A_98, %eq3A_99 : i32
      %eq3A_101 = arith.constant 0 : i32
      %eq3A_102 = arith.cmpi eq, %scan3A_98, %eq3A_101 : i32
      %add3A_103 = arith.constant 0 : i32
      %add3A_104 = arith.addi %add3A_103, %mul3A_6 : i32
      %select_n3A_105 = arith.constant true
      %select_n3A_106 = arith.constant 0 : i32
      %select_n3A_107 = arith.constant -1 : i32
      %select_n3A_108 = arith.select %select_n3A_105, %select_n3A_107, %select_n3A_106 : i32
      %eq3A_109 = arith.constant -1 : i32
      %eq3A_110 = arith.cmpi eq, %select_n3A_108, %eq3A_109 : i32
      %select_n3A_111 = arith.constant 0 : i32
      %select_n3A_112 = arith.select %eq3A_110, %select_n3A_111, %select_n3A_108 : i32
      %add3A_113 = arith.constant 0 : i32
      %add3A_114 = arith.addi %add3A_113, %mul3A_6 : i32
      %select_n3A_115 = arith.constant true
      %select_n3A_116 = arith.constant 0 : i32
      %select_n3A_117 = arith.constant 1 : i32
      %select_n3A_118 = arith.select %select_n3A_115, %select_n3A_117, %select_n3A_116 : i32
      %eq3A_119 = arith.constant 1 : i32
      %eq3A_120 = arith.cmpi eq, %select_n3A_118, %eq3A_119 : i32
      %select_n3A_121 = arith.constant 0 : i32
      %select_n3A_122 = arith.select %eq3A_120, %select_n3A_121, %select_n3A_118 : i32
      %add3A_123 = arith.constant 0 : i32
      %add3A_124 = arith.addi %add3A_123, %mul3A_6 : i32
      %select_n3A_125 = arith.constant true
      %select_n3A_126 = arith.constant 0 : i32
      %select_n3A_127 = arith.constant 1 : i32
      %select_n3A_128 = arith.select %select_n3A_125, %select_n3A_127, %select_n3A_126 : i32
      %eq3A_129 = arith.constant 1 : i32
      %eq3A_130 = arith.cmpi eq, %select_n3A_128, %eq3A_129 : i32
      %select_n3A_131 = arith.constant 0 : i32
      %select_n3A_132 = arith.select %eq3A_130, %select_n3A_131, %select_n3A_128 : i32
      %add3A_133 = arith.constant 0 : i32
      %add3A_134 = arith.addi %add3A_133, %mul3A_6 : i32
      %ne3A = arith.cmpi ne, %add3A_104, %add3A_124 : i32
      %or3A = arith.constant false
      %or3A_135 = arith.ori %or3A, %ne3A : i1
      %ge3A = arith.constant 0 : i32
      %ge3A_136 = arith.cmpi sge, %scan3A_98, %ge3A : i32
      %not3A = arith.constant true
      %not3A_137 = arith.xori %ge3A_136, %not3A : i1
      %and3A = arith.andi %or3A_135, %not3A_137 : i1
      %convert_element_type3A = arith.extui %and3A : i1 to i32
      %cond3A = arith.constant 0 : i32
      %cond3A_138 = arith.cmpi ne, %convert_element_type3A, %cond3A : i32
      scf.if %cond3A_138 {
        "tpu.trace_start"() <{level = 10 : i32, message = "ep_copy_in"}> : () -> ()
        %rem3A_420 = arith.constant 2 : i32
        %rem3A_421 = arith.remui %select_n3A_66, %rem3A_420 : i32
        %mul3A_422 = arith.constant 128 : i32
        %mul3A_423 = arith.muli %mul3A_422, %add3A_124 : i32
        %dma_start3A_424 = arith.constant 0 : i32
        %dma_start3A_425 = arith.constant 0 : i32
        %dma_start3A_426 = tpu.memref_slice %run_scoped3A[%rem3A_421, %dma_start3A_424, %dma_start3A_425] : memref<2x1x128xi32, #tpu.memory_space<vmem>> -> memref<1x1x128xi32, #tpu.memory_space<vmem>>
        %dma_start3A_427 = tpu.memref_squeeze %dma_start3A_426 : memref<1x1x128xi32, #tpu.memory_space<vmem>> -> memref<1x128xi32, #tpu.memory_space<vmem>>
        %dma_start3A_428 = arith.constant 0 : i32
        %dma_start3A_429 = tpu.memref_slice %arg4[%dma_start3A_428, %mul3A_423] : memref<1x4096xi32, #tpu.memory_space<hbm>> -> memref<1x128xi32, #tpu.memory_space<hbm>>
        %dma_start3A_430 = tpu.memref_slice %run_scoped3A_7[%rem3A_421] : memref<2x!tpu.dma_semaphore, #tpu.memory_space<semaphore_mem>> -> memref<1x!tpu.dma_semaphore, #tpu.memory_space<semaphore_mem>>
        %dma_start3A_431 = tpu.memref_squeeze %dma_start3A_430 : memref<1x!tpu.dma_semaphore, #tpu.memory_space<semaphore_mem>> -> memref<!tpu.dma_semaphore, #tpu.memory_space<semaphore_mem>>
        %dma_start3A_432 = arith.constant 0 : i32
        %dma_start3A_433 = arith.constant 0 : i32
        %dma_start3A_434 = tpu.memref_slice %run_scoped3A[%rem3A_421, %dma_start3A_432, %dma_start3A_433] : memref<2x1x128xi32, #tpu.memory_space<vmem>> -> memref<1x1x128xi32, #tpu.memory_space<vmem>>
        %dma_start3A_435 = tpu.memref_squeeze %dma_start3A_434 : memref<1x1x128xi32, #tpu.memory_space<vmem>> -> memref<1x128xi32, #tpu.memory_space<vmem>>
        %dma_start3A_436 = arith.constant 0 : i32
        %dma_start3A_437 = tpu.memref_slice %arg4[%dma_start3A_436, %mul3A_423] : memref<1x4096xi32, #tpu.memory_space<hbm>> -> memref<1x128xi32, #tpu.memory_space<hbm>>
        tpu.enqueue_dma source(%dma_start3A_437 : memref<1x128xi32, #tpu.memory_space<hbm>>) target(%dma_start3A_435 : memref<1x128xi32, #tpu.memory_space<vmem>>) target_semaphore(%dma_start3A_431 : memref<!tpu.dma_semaphore, #tpu.memory_space<semaphore_mem>>)
        "tpu.trace_stop"() : () -> ()
      } else {
      }
      %and3A_139 = arith.constant true
      %and3A_140 = arith.andi %and3A, %and3A_139 : i1
      %add3A_141 = arith.constant 1 : i32
      %add3A_142 = arith.addi %select_n3A_66, %add3A_141 : i32
      %select_n3A_143 = arith.select %and3A_140, %add3A_142, %select_n3A_66 : i32
      %ne3A_144 = arith.cmpi ne, %add3A_104, %add3A_124 : i32
      %or3A_145 = arith.constant false
      %or3A_146 = arith.ori %or3A_145, %ne3A_144 : i1
      %ge3A_147 = arith.constant 0 : i32
      %ge3A_148 = arith.cmpi sge, %scan3A_98, %ge3A_147 : i32
      %not3A_149 = arith.constant true
      %not3A_150 = arith.xori %ge3A_148, %not3A_149 : i1
      %and3A_151 = arith.andi %or3A_146, %not3A_150 : i1
      %convert_element_type3A_152 = arith.extui %and3A_151 : i1 to i32
      %cond3A_153 = arith.constant 0 : i32
      %cond3A_154 = arith.cmpi ne, %convert_element_type3A_152, %cond3A_153 : i32
      scf.if %cond3A_154 {
        "tpu.trace_start"() <{level = 10 : i32, message = "ep_copy_in"}> : () -> ()
        %rem3A_420 = arith.constant 2 : i32
        %rem3A_421 = arith.remui %select_n3A_91, %rem3A_420 : i32
        %mul3A_422 = arith.constant 128 : i32
        %mul3A_423 = arith.muli %mul3A_422, %add3A_124 : i32
        %dma_start3A_424 = arith.constant 0 : i32
        %dma_start3A_425 = arith.constant 0 : i32
        %dma_start3A_426 = tpu.memref_slice %run_scoped3A_8[%rem3A_421, %dma_start3A_424, %dma_start3A_425] : memref<2x1x128xi32, #tpu.memory_space<vmem>> -> memref<1x1x128xi32, #tpu.memory_space<vmem>>
        %dma_start3A_427 = tpu.memref_squeeze %dma_start3A_426 : memref<1x1x128xi32, #tpu.memory_space<vmem>> -> memref<1x128xi32, #tpu.memory_space<vmem>>
        %dma_start3A_428 = arith.constant 0 : i32
        %dma_start3A_429 = tpu.memref_slice %arg5[%dma_start3A_428, %mul3A_423] : memref<1x4096xi32, #tpu.memory_space<hbm>> -> memref<1x128xi32, #tpu.memory_space<hbm>>
        %dma_start3A_430 = tpu.memref_slice %run_scoped3A_9[%rem3A_421] : memref<2x!tpu.dma_semaphore, #tpu.memory_space<semaphore_mem>> -> memref<1x!tpu.dma_semaphore, #tpu.memory_space<semaphore_mem>>
        %dma_start3A_431 = tpu.memref_squeeze %dma_start3A_430 : memref<1x!tpu.dma_semaphore, #tpu.memory_space<semaphore_mem>> -> memref<!tpu.dma_semaphore, #tpu.memory_space<semaphore_mem>>
        %dma_start3A_432 = arith.constant 0 : i32
        %dma_start3A_433 = arith.constant 0 : i32
        %dma_start3A_434 = tpu.memref_slice %run_scoped3A_8[%rem3A_421, %dma_start3A_432, %dma_start3A_433] : memref<2x1x128xi32, #tpu.memory_space<vmem>> -> memref<1x1x128xi32, #tpu.memory_space<vmem>>
        %dma_start3A_435 = tpu.memref_squeeze %dma_start3A_434 : memref<1x1x128xi32, #tpu.memory_space<vmem>> -> memref<1x128xi32, #tpu.memory_space<vmem>>
        %dma_start3A_436 = arith.constant 0 : i32
        %dma_start3A_437 = tpu.memref_slice %arg5[%dma_start3A_436, %mul3A_423] : memref<1x4096xi32, #tpu.memory_space<hbm>> -> memref<1x128xi32, #tpu.memory_space<hbm>>
        tpu.enqueue_dma source(%dma_start3A_437 : memref<1x128xi32, #tpu.memory_space<hbm>>) target(%dma_start3A_435 : memref<1x128xi32, #tpu.memory_space<vmem>>) target_semaphore(%dma_start3A_431 : memref<!tpu.dma_semaphore, #tpu.memory_space<semaphore_mem>>)
        "tpu.trace_stop"() : () -> ()
      } else {
      }
      %and3A_155 = arith.constant true
      %and3A_156 = arith.andi %and3A_151, %and3A_155 : i1
      %add3A_157 = arith.constant 1 : i32
      %add3A_158 = arith.addi %select_n3A_91, %add3A_157 : i32
      %select_n3A_159 = arith.select %and3A_156, %add3A_158, %select_n3A_91 : i32
      %ne3A_160 = arith.cmpi ne, %add3A_104, %add3A_124 : i32
      %or3A_161 = arith.constant false
      %or3A_162 = arith.ori %or3A_161, %ne3A_160 : i1
      %or3A_163 = arith.constant false
      %or3A_164 = arith.ori %or3A_162, %or3A_163 : i1
      %ge3A_165 = arith.constant 0 : i32
      %ge3A_166 = arith.cmpi sge, %scan3A_98, %ge3A_165 : i32
      %not3A_167 = arith.constant true
      %not3A_168 = arith.xori %ge3A_166, %not3A_167 : i1
      %and3A_169 = arith.andi %or3A_164, %not3A_168 : i1
      %ne3A_170 = arith.cmpi ne, %add3A_104, %add3A_124 : i32
      %or3A_171 = arith.constant false
      %or3A_172 = arith.ori %or3A_171, %ne3A_170 : i1
      %or3A_173 = arith.constant false
      %or3A_174 = arith.ori %or3A_172, %or3A_173 : i1
      %ge3A_175 = arith.constant 0 : i32
      %ge3A_176 = arith.cmpi sge, %scan3A_98, %ge3A_175 : i32
      %not3A_177 = arith.constant true
      %not3A_178 = arith.xori %ge3A_176, %not3A_177 : i1
      %and3A_179 = arith.andi %or3A_174, %not3A_178 : i1
      %ne3A_180 = arith.cmpi ne, %add3A_104, %add3A_114 : i32
      %or3A_181 = arith.constant false
      %or3A_182 = arith.ori %or3A_181, %ne3A_180 : i1
      %or3A_183 = arith.ori %or3A_182, %eq3A_100 : i1
      %convert_element_type3A_184 = arith.extui %or3A_183 : i1 to i32
      %cond3A_185 = arith.constant 0 : i32
      %cond3A_186 = arith.cmpi ne, %convert_element_type3A_184, %cond3A_185 : i32
      scf.if %cond3A_186 {
        "tpu.trace_start"() <{level = 10 : i32, message = "ep_wait_in"}> : () -> ()
        %mul3A_420 = arith.constant 128 : i32
        %mul3A_421 = arith.muli %mul3A_420, %add3A_104 : i32
        %rem3A_422 = arith.constant 2 : i32
        %rem3A_423 = arith.remui %scan3A, %rem3A_422 : i32
        %dma_wait3A_424 = arith.constant 0 : i32
        %dma_wait3A_425 = arith.constant 0 : i32
        %dma_wait3A_426 = tpu.memref_slice %run_scoped3A[%rem3A_423, %dma_wait3A_424, %dma_wait3A_425] : memref<2x1x128xi32, #tpu.memory_space<vmem>> -> memref<1x1x128xi32, #tpu.memory_space<vmem>>
        %dma_wait3A_427 = tpu.memref_squeeze %dma_wait3A_426 : memref<1x1x128xi32, #tpu.memory_space<vmem>> -> memref<1x128xi32, #tpu.memory_space<vmem>>
        %dma_wait3A_428 = arith.constant 0 : i32
        %dma_wait3A_429 = tpu.memref_slice %arg4[%dma_wait3A_428, %mul3A_421] : memref<1x4096xi32, #tpu.memory_space<hbm>> -> memref<1x128xi32, #tpu.memory_space<hbm>>
        %dma_wait3A_430 = tpu.memref_slice %run_scoped3A_7[%rem3A_423] : memref<2x!tpu.dma_semaphore, #tpu.memory_space<semaphore_mem>> -> memref<1x!tpu.dma_semaphore, #tpu.memory_space<semaphore_mem>>
        %dma_wait3A_431 = tpu.memref_squeeze %dma_wait3A_430 : memref<1x!tpu.dma_semaphore, #tpu.memory_space<semaphore_mem>> -> memref<!tpu.dma_semaphore, #tpu.memory_space<semaphore_mem>>
        %dma_wait3A_432 = arith.constant 0 : i32
        %dma_wait3A_433 = arith.constant 0 : i32
        %dma_wait3A_434 = tpu.memref_slice %run_scoped3A[%rem3A_423, %dma_wait3A_432, %dma_wait3A_433] : memref<2x1x128xi32, #tpu.memory_space<vmem>> -> memref<1x1x128xi32, #tpu.memory_space<vmem>>
        %dma_wait3A_435 = tpu.memref_squeeze %dma_wait3A_434 : memref<1x1x128xi32, #tpu.memory_space<vmem>> -> memref<1x128xi32, #tpu.memory_space<vmem>>
        %dma_wait3A_436 = arith.constant 0 : i32
        %dma_wait3A_437 = tpu.memref_slice %arg4[%dma_wait3A_436, %mul3A_421] : memref<1x4096xi32, #tpu.memory_space<hbm>> -> memref<1x128xi32, #tpu.memory_space<hbm>>
        tpu.wait_dma2 semaphore(%dma_wait3A_431 : memref<!tpu.dma_semaphore, #tpu.memory_space<semaphore_mem>>) src(%dma_wait3A_437 : memref<1x128xi32, #tpu.memory_space<hbm>>) dst(%dma_wait3A_435 : memref<1x128xi32, #tpu.memory_space<vmem>>)
        "tpu.trace_stop"() : () -> ()
      } else {
      }
      %ne3A_187 = arith.cmpi ne, %add3A_104, %add3A_114 : i32
      %or3A_188 = arith.constant false
      %or3A_189 = arith.ori %or3A_188, %ne3A_187 : i1
      %or3A_190 = arith.ori %or3A_189, %eq3A_100 : i1
      %convert_element_type3A_191 = arith.extui %or3A_190 : i1 to i32
      %cond3A_192 = arith.constant 0 : i32
      %cond3A_193 = arith.cmpi ne, %convert_element_type3A_191, %cond3A_192 : i32
      scf.if %cond3A_193 {
        "tpu.trace_start"() <{level = 10 : i32, message = "ep_wait_in"}> : () -> ()
        %mul3A_420 = arith.constant 128 : i32
        %mul3A_421 = arith.muli %mul3A_420, %add3A_104 : i32
        %rem3A_422 = arith.constant 2 : i32
        %rem3A_423 = arith.remui %scan3A_92, %rem3A_422 : i32
        %dma_wait3A_424 = arith.constant 0 : i32
        %dma_wait3A_425 = arith.constant 0 : i32
        %dma_wait3A_426 = tpu.memref_slice %run_scoped3A_8[%rem3A_423, %dma_wait3A_424, %dma_wait3A_425] : memref<2x1x128xi32, #tpu.memory_space<vmem>> -> memref<1x1x128xi32, #tpu.memory_space<vmem>>
        %dma_wait3A_427 = tpu.memref_squeeze %dma_wait3A_426 : memref<1x1x128xi32, #tpu.memory_space<vmem>> -> memref<1x128xi32, #tpu.memory_space<vmem>>
        %dma_wait3A_428 = arith.constant 0 : i32
        %dma_wait3A_429 = tpu.memref_slice %arg5[%dma_wait3A_428, %mul3A_421] : memref<1x4096xi32, #tpu.memory_space<hbm>> -> memref<1x128xi32, #tpu.memory_space<hbm>>
        %dma_wait3A_430 = tpu.memref_slice %run_scoped3A_9[%rem3A_423] : memref<2x!tpu.dma_semaphore, #tpu.memory_space<semaphore_mem>> -> memref<1x!tpu.dma_semaphore, #tpu.memory_space<semaphore_mem>>
        %dma_wait3A_431 = tpu.memref_squeeze %dma_wait3A_430 : memref<1x!tpu.dma_semaphore, #tpu.memory_space<semaphore_mem>> -> memref<!tpu.dma_semaphore, #tpu.memory_space<semaphore_mem>>
        %dma_wait3A_432 = arith.constant 0 : i32
        %dma_wait3A_433 = arith.constant 0 : i32
        %dma_wait3A_434 = tpu.memref_slice %run_scoped3A_8[%rem3A_423, %dma_wait3A_432, %dma_wait3A_433] : memref<2x1x128xi32, #tpu.memory_space<vmem>> -> memref<1x1x128xi32, #tpu.memory_space<vmem>>
        %dma_wait3A_435 = tpu.memref_squeeze %dma_wait3A_434 : memref<1x1x128xi32, #tpu.memory_space<vmem>> -> memref<1x128xi32, #tpu.memory_space<vmem>>
        %dma_wait3A_436 = arith.constant 0 : i32
        %dma_wait3A_437 = tpu.memref_slice %arg5[%dma_wait3A_436, %mul3A_421] : memref<1x4096xi32, #tpu.memory_space<hbm>> -> memref<1x128xi32, #tpu.memory_space<hbm>>
        tpu.wait_dma2 semaphore(%dma_wait3A_431 : memref<!tpu.dma_semaphore, #tpu.memory_space<semaphore_mem>>) src(%dma_wait3A_437 : memref<1x128xi32, #tpu.memory_space<hbm>>) dst(%dma_wait3A_435 : memref<1x128xi32, #tpu.memory_space<vmem>>)
        "tpu.trace_stop"() : () -> ()
      } else {
      }
      %ne3A_194 = arith.cmpi ne, %add3A_104, %add3A_114 : i32
      %or3A_195 = arith.constant false
      %or3A_196 = arith.ori %or3A_195, %ne3A_194 : i1
      %or3A_197 = arith.constant false
      %or3A_198 = arith.ori %or3A_196, %or3A_197 : i1
      %or3A_199 = arith.ori %or3A_198, %eq3A_100 : i1
      %convert_element_type3A_200 = arith.extui %or3A_199 : i1 to i32
      %cond3A_201 = arith.constant 0 : i32
      %cond3A_202 = arith.cmpi ne, %convert_element_type3A_200, %cond3A_201 : i32
      scf.if %cond3A_202 {
      } else {
      }
      %ne3A_203 = arith.cmpi ne, %add3A_104, %add3A_114 : i32
      %or3A_204 = arith.constant false
      %or3A_205 = arith.ori %or3A_204, %ne3A_203 : i1
      %or3A_206 = arith.constant false
      %or3A_207 = arith.ori %or3A_205, %or3A_206 : i1
      %or3A_208 = arith.ori %or3A_207, %eq3A_100 : i1
      %convert_element_type3A_209 = arith.extui %or3A_208 : i1 to i32
      %cond3A_210 = arith.constant 0 : i32
      %cond3A_211 = arith.cmpi ne, %convert_element_type3A_209, %cond3A_210 : i32
      scf.if %cond3A_211 {
      } else {
      }
      %rem3A_212 = arith.constant 2 : i32
      %rem3A_213 = arith.remui %scan3A, %rem3A_212 : i32
      %rem3A_214 = arith.constant 2 : i32
      %rem3A_215 = arith.remui %scan3A_92, %rem3A_214 : i32
      %rem3A_216 = arith.constant 2 : i32
      %rem3A_217 = arith.remui %scan3A_93, %rem3A_216 : i32
      %rem3A_218 = arith.constant 2 : i32
      %rem3A_219 = arith.remui %scan3A_95, %rem3A_218 : i32
      %run_scoped3A_220 = arith.constant 0 : i32
      "tpu.trace_start"() <{level = 10 : i32, message = "ep_run_kernel"}> : () -> ()
      "tpu.region"() ({
        %run_scoped3A_420 = tpu.sem_alloc : memref<!tpu.dma_semaphore, #tpu.memory_space<semaphore_mem>>
        %dma_start3A_421 = arith.constant 0 : i32
        %dma_start3A_422 = arith.constant 0 : i32
        %dma_start3A_423 = tpu.memref_slice %run_scoped3A_10[%rem3A_217, %dma_start3A_421, %dma_start3A_422] : memref<2x128x128xi32, #tpu.memory_space<vmem>> -> memref<1x128x128xi32, #tpu.memory_space<vmem>>
        %dma_start3A_424 = tpu.memref_squeeze %dma_start3A_423 : memref<1x128x128xi32, #tpu.memory_space<vmem>> -> memref<128x128xi32, #tpu.memory_space<vmem>>
        %dma_start3A_425 = arith.constant 0 : i32
        %dma_start3A_426 = arith.constant 0 : i32
        %dma_start3A_427 = tpu.memref_slice %run_scoped3A[%rem3A_213, %dma_start3A_425, %dma_start3A_426] : memref<2x1x128xi32, #tpu.memory_space<vmem>> -> memref<1x1x128xi32, #tpu.memory_space<vmem>>
        %dma_start3A_428 = tpu.memref_squeeze %dma_start3A_427 : memref<1x1x128xi32, #tpu.memory_space<vmem>> -> memref<1x128xi32, #tpu.memory_space<vmem>>
        %dma_start3A_429 = arith.constant 0 : i32
        %dma_start3A_430 = tpu.memref_slice %dma_start3A_428[%run_scoped3A_220, %dma_start3A_429] : memref<1x128xi32, #tpu.memory_space<vmem>> -> memref<1x128xi32, #tpu.memory_space<vmem>>
        %dma_start3A_431 = tpu.memref_squeeze %dma_start3A_430 : memref<1x128xi32, #tpu.memory_space<vmem>> -> memref<128xi32, #tpu.memory_space<vmem>>
        %dma_start3A_432 = arith.constant 0 : i32
        %dma_start3A_433 = arith.constant 0 : i32
        %dma_start3A_434 = tpu.memref_slice %arg2[%dma_start3A_432, %dma_start3A_433] : memref<16384x128xi32, #tpu.memory_space<hbm>> -> memref<16384x128xi32, #tpu.memory_space<hbm>>
        tpu.enqueue_indirect_dma source(%dma_start3A_434 : memref<16384x128xi32, #tpu.memory_space<hbm>>) target(%dma_start3A_424 : memref<128x128xi32, #tpu.memory_space<vmem>>) offsets(%dma_start3A_431 : memref<128xi32, #tpu.memory_space<vmem>>) semaphore(%run_scoped3A_420 : memref<!tpu.dma_semaphore, #tpu.memory_space<semaphore_mem>>)
        %dma_wait3A_435 = arith.constant 0 : i32
        %dma_wait3A_436 = arith.constant 0 : i32
        %dma_wait3A_437 = tpu.memref_slice %run_scoped3A_10[%rem3A_217, %dma_wait3A_435, %dma_wait3A_436] : memref<2x128x128xi32, #tpu.memory_space<vmem>> -> memref<1x128x128xi32, #tpu.memory_space<vmem>>
        %dma_wait3A_438 = tpu.memref_squeeze %dma_wait3A_437 : memref<1x128x128xi32, #tpu.memory_space<vmem>> -> memref<128x128xi32, #tpu.memory_space<vmem>>
        %dma_wait3A_439 = arith.constant 0 : i32
        %dma_wait3A_440 = arith.constant 0 : i32
        %dma_wait3A_441 = tpu.memref_slice %run_scoped3A[%rem3A_213, %dma_wait3A_439, %dma_wait3A_440] : memref<2x1x128xi32, #tpu.memory_space<vmem>> -> memref<1x1x128xi32, #tpu.memory_space<vmem>>
        %dma_wait3A_442 = tpu.memref_squeeze %dma_wait3A_441 : memref<1x1x128xi32, #tpu.memory_space<vmem>> -> memref<1x128xi32, #tpu.memory_space<vmem>>
        %dma_wait3A_443 = arith.constant 0 : i32
        %dma_wait3A_444 = tpu.memref_slice %dma_wait3A_442[%run_scoped3A_220, %dma_wait3A_443] : memref<1x128xi32, #tpu.memory_space<vmem>> -> memref<1x128xi32, #tpu.memory_space<vmem>>
        %dma_wait3A_445 = tpu.memref_squeeze %dma_wait3A_444 : memref<1x128xi32, #tpu.memory_space<vmem>> -> memref<128xi32, #tpu.memory_space<vmem>>
        %dma_wait3A_446 = arith.constant 0 : i32
        %dma_wait3A_447 = arith.constant 0 : i32
        %dma_wait3A_448 = tpu.memref_slice %arg2[%dma_wait3A_446, %dma_wait3A_447] : memref<16384x128xi32, #tpu.memory_space<hbm>> -> memref<16384x128xi32, #tpu.memory_space<hbm>>
        tpu.wait_indirect_dma semaphore(%run_scoped3A_420 : memref<!tpu.dma_semaphore, #tpu.memory_space<semaphore_mem>>) src(%dma_wait3A_448 : memref<16384x128xi32, #tpu.memory_space<hbm>>) dst(%dma_wait3A_438 : memref<128x128xi32, #tpu.memory_space<vmem>>)
        tpu.yield
      }) : () -> ()
      %run_scoped3A_221 = arith.constant 0 : i32
      "tpu.region"() ({
        %run_scoped3A_420 = tpu.sem_alloc : memref<!tpu.dma_semaphore, #tpu.memory_space<semaphore_mem>>
        %dma_start3A_421 = arith.constant 0 : i32
        %dma_start3A_422 = arith.constant 0 : i32
        %dma_start3A_423 = tpu.memref_slice %run_scoped3A_12[%rem3A_219, %dma_start3A_421, %dma_start3A_422] : memref<2x128x128xi32, #tpu.memory_space<vmem>> -> memref<1x128x128xi32, #tpu.memory_space<vmem>>
        %dma_start3A_424 = tpu.memref_squeeze %dma_start3A_423 : memref<1x128x128xi32, #tpu.memory_space<vmem>> -> memref<128x128xi32, #tpu.memory_space<vmem>>
        %dma_start3A_425 = arith.constant 0 : i32
        %dma_start3A_426 = arith.constant 0 : i32
        %dma_start3A_427 = tpu.memref_slice %run_scoped3A_8[%rem3A_215, %dma_start3A_425, %dma_start3A_426] : memref<2x1x128xi32, #tpu.memory_space<vmem>> -> memref<1x1x128xi32, #tpu.memory_space<vmem>>
        %dma_start3A_428 = tpu.memref_squeeze %dma_start3A_427 : memref<1x1x128xi32, #tpu.memory_space<vmem>> -> memref<1x128xi32, #tpu.memory_space<vmem>>
        %dma_start3A_429 = arith.constant 0 : i32
        %dma_start3A_430 = tpu.memref_slice %dma_start3A_428[%run_scoped3A_221, %dma_start3A_429] : memref<1x128xi32, #tpu.memory_space<vmem>> -> memref<1x128xi32, #tpu.memory_space<vmem>>
        %dma_start3A_431 = tpu.memref_squeeze %dma_start3A_430 : memref<1x128xi32, #tpu.memory_space<vmem>> -> memref<128xi32, #tpu.memory_space<vmem>>
        %dma_start3A_432 = arith.constant 0 : i32
        %dma_start3A_433 = arith.constant 0 : i32
        %dma_start3A_434 = tpu.memref_slice %arg3[%dma_start3A_432, %dma_start3A_433] : memref<32768x128xi32, #tpu.memory_space<hbm>> -> memref<32768x128xi32, #tpu.memory_space<hbm>>
        tpu.enqueue_indirect_dma source(%dma_start3A_434 : memref<32768x128xi32, #tpu.memory_space<hbm>>) target(%dma_start3A_424 : memref<128x128xi32, #tpu.memory_space<vmem>>) offsets(%dma_start3A_431 : memref<128xi32, #tpu.memory_space<vmem>>) semaphore(%run_scoped3A_420 : memref<!tpu.dma_semaphore, #tpu.memory_space<semaphore_mem>>)
        %dma_wait3A_435 = arith.constant 0 : i32
        %dma_wait3A_436 = arith.constant 0 : i32
        %dma_wait3A_437 = tpu.memref_slice %run_scoped3A_12[%rem3A_219, %dma_wait3A_435, %dma_wait3A_436] : memref<2x128x128xi32, #tpu.memory_space<vmem>> -> memref<1x128x128xi32, #tpu.memory_space<vmem>>
        %dma_wait3A_438 = tpu.memref_squeeze %dma_wait3A_437 : memref<1x128x128xi32, #tpu.memory_space<vmem>> -> memref<128x128xi32, #tpu.memory_space<vmem>>
        %dma_wait3A_439 = arith.constant 0 : i32
        %dma_wait3A_440 = arith.constant 0 : i32
        %dma_wait3A_441 = tpu.memref_slice %run_scoped3A_8[%rem3A_215, %dma_wait3A_439, %dma_wait3A_440] : memref<2x1x128xi32, #tpu.memory_space<vmem>> -> memref<1x1x128xi32, #tpu.memory_space<vmem>>
        %dma_wait3A_442 = tpu.memref_squeeze %dma_wait3A_441 : memref<1x1x128xi32, #tpu.memory_space<vmem>> -> memref<1x128xi32, #tpu.memory_space<vmem>>
        %dma_wait3A_443 = arith.constant 0 : i32
        %dma_wait3A_444 = tpu.memref_slice %dma_wait3A_442[%run_scoped3A_221, %dma_wait3A_443] : memref<1x128xi32, #tpu.memory_space<vmem>> -> memref<1x128xi32, #tpu.memory_space<vmem>>
        %dma_wait3A_445 = tpu.memref_squeeze %dma_wait3A_444 : memref<1x128xi32, #tpu.memory_space<vmem>> -> memref<128xi32, #tpu.memory_space<vmem>>
        %dma_wait3A_446 = arith.constant 0 : i32
        %dma_wait3A_447 = arith.constant 0 : i32
        %dma_wait3A_448 = tpu.memref_slice %arg3[%dma_wait3A_446, %dma_wait3A_447] : memref<32768x128xi32, #tpu.memory_space<hbm>> -> memref<32768x128xi32, #tpu.memory_space<hbm>>
        tpu.wait_indirect_dma semaphore(%run_scoped3A_420 : memref<!tpu.dma_semaphore, #tpu.memory_space<semaphore_mem>>) src(%dma_wait3A_448 : memref<32768x128xi32, #tpu.memory_space<hbm>>) dst(%dma_wait3A_438 : memref<128x128xi32, #tpu.memory_space<vmem>>)
        tpu.yield
      }) : () -> ()
      "tpu.trace_stop"() : () -> ()
      %ne3A_222 = arith.cmpi ne, %add3A_104, %add3A_124 : i32
      %or3A_223 = arith.constant false
      %or3A_224 = arith.ori %or3A_223, %ne3A_222 : i1
      %or3A_225 = arith.ori %or3A_224, %eq3A_102 : i1
      %convert_element_type3A_226 = arith.extui %or3A_225 : i1 to i32
      %cond3A_227 = arith.constant 0 : i32
      %cond3A_228 = arith.cmpi ne, %convert_element_type3A_226, %cond3A_227 : i32
      scf.if %cond3A_228 {
      } else {
      }
      %and3A_229 = arith.constant false
      %and3A_230 = arith.andi %or3A_225, %and3A_229 : i1
      %ne3A_231 = arith.cmpi ne, %add3A_104, %add3A_124 : i32
      %or3A_232 = arith.constant false
      %or3A_233 = arith.ori %or3A_232, %ne3A_231 : i1
      %or3A_234 = arith.ori %or3A_233, %eq3A_102 : i1
      %convert_element_type3A_235 = arith.extui %or3A_234 : i1 to i32
      %cond3A_236 = arith.constant 0 : i32
      %cond3A_237 = arith.cmpi ne, %convert_element_type3A_235, %cond3A_236 : i32
      scf.if %cond3A_237 {
      } else {
      }
      %and3A_238 = arith.constant false
      %and3A_239 = arith.andi %or3A_234, %and3A_238 : i1
      %ne3A_240 = arith.cmpi ne, %add3A_104, %add3A_124 : i32
      %or3A_241 = arith.constant false
      %or3A_242 = arith.ori %or3A_241, %ne3A_240 : i1
      %or3A_243 = arith.constant false
      %or3A_244 = arith.ori %or3A_242, %or3A_243 : i1
      %or3A_245 = arith.ori %or3A_244, %eq3A_102 : i1
      %convert_element_type3A_246 = arith.extui %or3A_245 : i1 to i32
      %cond3A_247 = arith.constant 0 : i32
      %cond3A_248 = arith.cmpi ne, %convert_element_type3A_246, %cond3A_247 : i32
      scf.if %cond3A_248 {
        "tpu.trace_start"() <{level = 10 : i32, message = "ep_copy_out"}> : () -> ()
        %rem3A_420 = arith.constant 2 : i32
        %rem3A_421 = arith.remui %scan3A_93, %rem3A_420 : i32
        %mul3A_422 = arith.constant 128 : i32
        %mul3A_423 = arith.muli %mul3A_422, %add3A_104 : i32
        %dma_start3A_424 = arith.constant 0 : i32
        %dma_start3A_425 = arith.constant 0 : i32
        %dma_start3A_426 = tpu.memref_slice %run_scoped3A_10[%rem3A_421, %dma_start3A_424, %dma_start3A_425] : memref<2x128x128xi32, #tpu.memory_space<vmem>> -> memref<1x128x128xi32, #tpu.memory_space<vmem>>
        %dma_start3A_427 = tpu.memref_squeeze %dma_start3A_426 : memref<1x128x128xi32, #tpu.memory_space<vmem>> -> memref<128x128xi32, #tpu.memory_space<vmem>>
        %dma_start3A_428 = arith.constant 0 : i32
        %dma_start3A_429 = tpu.memref_slice %arg6[%mul3A_423, %dma_start3A_428] : memref<4096x128xi32, #tpu.memory_space<hbm>> -> memref<128x128xi32, #tpu.memory_space<hbm>>
        %dma_start3A_430 = tpu.memref_slice %run_scoped3A_11[%rem3A_421] : memref<2x!tpu.dma_semaphore, #tpu.memory_space<semaphore_mem>> -> memref<1x!tpu.dma_semaphore, #tpu.memory_space<semaphore_mem>>
        %dma_start3A_431 = tpu.memref_squeeze %dma_start3A_430 : memref<1x!tpu.dma_semaphore, #tpu.memory_space<semaphore_mem>> -> memref<!tpu.dma_semaphore, #tpu.memory_space<semaphore_mem>>
        %dma_start3A_432 = arith.constant 0 : i32
        %dma_start3A_433 = tpu.memref_slice %arg6[%mul3A_423, %dma_start3A_432] : memref<4096x128xi32, #tpu.memory_space<hbm>> -> memref<128x128xi32, #tpu.memory_space<hbm>>
        %dma_start3A_434 = arith.constant 0 : i32
        %dma_start3A_435 = arith.constant 0 : i32
        %dma_start3A_436 = tpu.memref_slice %run_scoped3A_10[%rem3A_421, %dma_start3A_434, %dma_start3A_435] : memref<2x128x128xi32, #tpu.memory_space<vmem>> -> memref<1x128x128xi32, #tpu.memory_space<vmem>>
        %dma_start3A_437 = tpu.memref_squeeze %dma_start3A_436 : memref<1x128x128xi32, #tpu.memory_space<vmem>> -> memref<128x128xi32, #tpu.memory_space<vmem>>
        tpu.enqueue_dma source(%dma_start3A_437 : memref<128x128xi32, #tpu.memory_space<vmem>>) target(%dma_start3A_433 : memref<128x128xi32, #tpu.memory_space<hbm>>) target_semaphore(%dma_start3A_431 : memref<!tpu.dma_semaphore, #tpu.memory_space<semaphore_mem>>)
        "tpu.trace_stop"() : () -> ()
      } else {
      }
      %and3A_249 = arith.constant true
      %and3A_250 = arith.andi %or3A_245, %and3A_249 : i1
      %add3A_251 = arith.constant 1 : i32
      %add3A_252 = arith.addi %scan3A_93, %add3A_251 : i32
      %select_n3A_253 = arith.select %and3A_250, %add3A_252, %scan3A_93 : i32
      %ne3A_254 = arith.cmpi ne, %add3A_104, %add3A_124 : i32
      %or3A_255 = arith.constant false
      %or3A_256 = arith.ori %or3A_255, %ne3A_254 : i1
      %or3A_257 = arith.constant false
      %or3A_258 = arith.ori %or3A_256, %or3A_257 : i1
      %or3A_259 = arith.ori %or3A_258, %eq3A_102 : i1
      %convert_element_type3A_260 = arith.extui %or3A_259 : i1 to i32
      %cond3A_261 = arith.constant 0 : i32
      %cond3A_262 = arith.cmpi ne, %convert_element_type3A_260, %cond3A_261 : i32
      scf.if %cond3A_262 {
        "tpu.trace_start"() <{level = 10 : i32, message = "ep_copy_out"}> : () -> ()
        %rem3A_420 = arith.constant 2 : i32
        %rem3A_421 = arith.remui %scan3A_95, %rem3A_420 : i32
        %mul3A_422 = arith.constant 128 : i32
        %mul3A_423 = arith.muli %mul3A_422, %add3A_104 : i32
        %dma_start3A_424 = arith.constant 0 : i32
        %dma_start3A_425 = arith.constant 0 : i32
        %dma_start3A_426 = tpu.memref_slice %run_scoped3A_12[%rem3A_421, %dma_start3A_424, %dma_start3A_425] : memref<2x128x128xi32, #tpu.memory_space<vmem>> -> memref<1x128x128xi32, #tpu.memory_space<vmem>>
        %dma_start3A_427 = tpu.memref_squeeze %dma_start3A_426 : memref<1x128x128xi32, #tpu.memory_space<vmem>> -> memref<128x128xi32, #tpu.memory_space<vmem>>
        %dma_start3A_428 = arith.constant 0 : i32
        %dma_start3A_429 = tpu.memref_slice %arg7[%mul3A_423, %dma_start3A_428] : memref<4096x128xi32, #tpu.memory_space<hbm>> -> memref<128x128xi32, #tpu.memory_space<hbm>>
        %dma_start3A_430 = tpu.memref_slice %run_scoped3A_13[%rem3A_421] : memref<2x!tpu.dma_semaphore, #tpu.memory_space<semaphore_mem>> -> memref<1x!tpu.dma_semaphore, #tpu.memory_space<semaphore_mem>>
        %dma_start3A_431 = tpu.memref_squeeze %dma_start3A_430 : memref<1x!tpu.dma_semaphore, #tpu.memory_space<semaphore_mem>> -> memref<!tpu.dma_semaphore, #tpu.memory_space<semaphore_mem>>
        %dma_start3A_432 = arith.constant 0 : i32
        %dma_start3A_433 = tpu.memref_slice %arg7[%mul3A_423, %dma_start3A_432] : memref<4096x128xi32, #tpu.memory_space<hbm>> -> memref<128x128xi32, #tpu.memory_space<hbm>>
        %dma_start3A_434 = arith.constant 0 : i32
        %dma_start3A_435 = arith.constant 0 : i32
        %dma_start3A_436 = tpu.memref_slice %run_scoped3A_12[%rem3A_421, %dma_start3A_434, %dma_start3A_435] : memref<2x128x128xi32, #tpu.memory_space<vmem>> -> memref<1x128x128xi32, #tpu.memory_space<vmem>>
        %dma_start3A_437 = tpu.memref_squeeze %dma_start3A_436 : memref<1x128x128xi32, #tpu.memory_space<vmem>> -> memref<128x128xi32, #tpu.memory_space<vmem>>
        tpu.enqueue_dma source(%dma_start3A_437 : memref<128x128xi32, #tpu.memory_space<vmem>>) target(%dma_start3A_433 : memref<128x128xi32, #tpu.memory_space<hbm>>) target_semaphore(%dma_start3A_431 : memref<!tpu.dma_semaphore, #tpu.memory_space<semaphore_mem>>)
        "tpu.trace_stop"() : () -> ()
      } else {
      }
      %and3A_263 = arith.constant true
      %and3A_264 = arith.andi %or3A_259, %and3A_263 : i1
      %add3A_265 = arith.constant 1 : i32
      %add3A_266 = arith.addi %scan3A_95, %add3A_265 : i32
      %select_n3A_267 = arith.select %and3A_264, %add3A_266, %scan3A_95 : i32
      %ne3A_268 = arith.cmpi ne, %add3A_104, %add3A_114 : i32
      %or3A_269 = arith.constant false
      %or3A_270 = arith.ori %or3A_269, %ne3A_268 : i1
      %not3A_271 = arith.constant true
      %not3A_272 = arith.xori %eq3A_100, %not3A_271 : i1
      %and3A_273 = arith.andi %or3A_270, %not3A_272 : i1
      %convert_element_type3A_274 = arith.extui %and3A_273 : i1 to i32
      %cond3A_275 = arith.constant 0 : i32
      %cond3A_276 = arith.cmpi ne, %convert_element_type3A_274, %cond3A_275 : i32
      scf.if %cond3A_276 {
      } else {
      }
      %and3A_277 = arith.constant false
      %and3A_278 = arith.andi %and3A_273, %and3A_277 : i1
      %ne3A_279 = arith.cmpi ne, %add3A_104, %add3A_114 : i32
      %or3A_280 = arith.constant false
      %or3A_281 = arith.ori %or3A_280, %ne3A_279 : i1
      %not3A_282 = arith.constant true
      %not3A_283 = arith.xori %eq3A_100, %not3A_282 : i1
      %and3A_284 = arith.andi %or3A_281, %not3A_283 : i1
      %convert_element_type3A_285 = arith.extui %and3A_284 : i1 to i32
      %cond3A_286 = arith.constant 0 : i32
      %cond3A_287 = arith.cmpi ne, %convert_element_type3A_285, %cond3A_286 : i32
      scf.if %cond3A_287 {
      } else {
      }
      %and3A_288 = arith.constant false
      %and3A_289 = arith.andi %and3A_284, %and3A_288 : i1
      %ne3A_290 = arith.cmpi ne, %add3A_104, %add3A_114 : i32
      %or3A_291 = arith.constant false
      %or3A_292 = arith.ori %or3A_291, %ne3A_290 : i1
      %or3A_293 = arith.constant false
      %or3A_294 = arith.ori %or3A_292, %or3A_293 : i1
      %not3A_295 = arith.constant true
      %not3A_296 = arith.xori %eq3A_100, %not3A_295 : i1
      %and3A_297 = arith.andi %or3A_294, %not3A_296 : i1
      %convert_element_type3A_298 = arith.extui %and3A_297 : i1 to i32
      %cond3A_299 = arith.constant 0 : i32
      %cond3A_300 = arith.cmpi ne, %convert_element_type3A_298, %cond3A_299 : i32
      scf.if %cond3A_300 {
        "tpu.trace_start"() <{level = 10 : i32, message = "ep_wait_out"}> : () -> ()
        %rem3A_420 = arith.constant 2 : i32
        %rem3A_421 = arith.remui %scan3A_94, %rem3A_420 : i32
        %mul3A_422 = arith.constant 128 : i32
        %mul3A_423 = arith.muli %mul3A_422, %add3A_114 : i32
        %dma_wait3A_424 = arith.constant 0 : i32
        %dma_wait3A_425 = arith.constant 0 : i32
        %dma_wait3A_426 = tpu.memref_slice %run_scoped3A_10[%rem3A_421, %dma_wait3A_424, %dma_wait3A_425] : memref<2x128x128xi32, #tpu.memory_space<vmem>> -> memref<1x128x128xi32, #tpu.memory_space<vmem>>
        %dma_wait3A_427 = tpu.memref_squeeze %dma_wait3A_426 : memref<1x128x128xi32, #tpu.memory_space<vmem>> -> memref<128x128xi32, #tpu.memory_space<vmem>>
        %dma_wait3A_428 = arith.constant 0 : i32
        %dma_wait3A_429 = tpu.memref_slice %arg6[%mul3A_423, %dma_wait3A_428] : memref<4096x128xi32, #tpu.memory_space<hbm>> -> memref<128x128xi32, #tpu.memory_space<hbm>>
        %dma_wait3A_430 = tpu.memref_slice %run_scoped3A_11[%rem3A_421] : memref<2x!tpu.dma_semaphore, #tpu.memory_space<semaphore_mem>> -> memref<1x!tpu.dma_semaphore, #tpu.memory_space<semaphore_mem>>
        %dma_wait3A_431 = tpu.memref_squeeze %dma_wait3A_430 : memref<1x!tpu.dma_semaphore, #tpu.memory_space<semaphore_mem>> -> memref<!tpu.dma_semaphore, #tpu.memory_space<semaphore_mem>>
        %dma_wait3A_432 = arith.constant 0 : i32
        %dma_wait3A_433 = tpu.memref_slice %arg6[%mul3A_423, %dma_wait3A_432] : memref<4096x128xi32, #tpu.memory_space<hbm>> -> memref<128x128xi32, #tpu.memory_space<hbm>>
        %dma_wait3A_434 = arith.constant 0 : i32
        %dma_wait3A_435 = arith.constant 0 : i32
        %dma_wait3A_436 = tpu.memref_slice %run_scoped3A_10[%rem3A_421, %dma_wait3A_434, %dma_wait3A_435] : memref<2x128x128xi32, #tpu.memory_space<vmem>> -> memref<1x128x128xi32, #tpu.memory_space<vmem>>
        %dma_wait3A_437 = tpu.memref_squeeze %dma_wait3A_436 : memref<1x128x128xi32, #tpu.memory_space<vmem>> -> memref<128x128xi32, #tpu.memory_space<vmem>>
        tpu.wait_dma2 semaphore(%dma_wait3A_431 : memref<!tpu.dma_semaphore, #tpu.memory_space<semaphore_mem>>) src(%dma_wait3A_437 : memref<128x128xi32, #tpu.memory_space<vmem>>) dst(%dma_wait3A_433 : memref<128x128xi32, #tpu.memory_space<hbm>>)
        "tpu.trace_stop"() : () -> ()
      } else {
      }
      %and3A_301 = arith.constant true
      %and3A_302 = arith.andi %and3A_297, %and3A_301 : i1
      %add3A_303 = arith.constant 1 : i32
      %add3A_304 = arith.addi %scan3A_94, %add3A_303 : i32
      %select_n3A_305 = arith.select %and3A_302, %add3A_304, %scan3A_94 : i32
      %ne3A_306 = arith.cmpi ne, %add3A_104, %add3A_114 : i32
      %or3A_307 = arith.constant false
      %or3A_308 = arith.ori %or3A_307, %ne3A_306 : i1
      %or3A_309 = arith.constant false
      %or3A_310 = arith.ori %or3A_308, %or3A_309 : i1
      %not3A_311 = arith.constant true
      %not3A_312 = arith.xori %eq3A_100, %not3A_311 : i1
      %and3A_313 = arith.andi %or3A_310, %not3A_312 : i1
      %convert_element_type3A_314 = arith.extui %and3A_313 : i1 to i32
      %cond3A_315 = arith.constant 0 : i32
      %cond3A_316 = arith.cmpi ne, %convert_element_type3A_314, %cond3A_315 : i32
      scf.if %cond3A_316 {
        "tpu.trace_start"() <{level = 10 : i32, message = "ep_wait_out"}> : () -> ()
        %rem3A_420 = arith.constant 2 : i32
        %rem3A_421 = arith.remui %scan3A_96, %rem3A_420 : i32
        %mul3A_422 = arith.constant 128 : i32
        %mul3A_423 = arith.muli %mul3A_422, %add3A_114 : i32
        %dma_wait3A_424 = arith.constant 0 : i32
        %dma_wait3A_425 = arith.constant 0 : i32
        %dma_wait3A_426 = tpu.memref_slice %run_scoped3A_12[%rem3A_421, %dma_wait3A_424, %dma_wait3A_425] : memref<2x128x128xi32, #tpu.memory_space<vmem>> -> memref<1x128x128xi32, #tpu.memory_space<vmem>>
        %dma_wait3A_427 = tpu.memref_squeeze %dma_wait3A_426 : memref<1x128x128xi32, #tpu.memory_space<vmem>> -> memref<128x128xi32, #tpu.memory_space<vmem>>
        %dma_wait3A_428 = arith.constant 0 : i32
        %dma_wait3A_429 = tpu.memref_slice %arg7[%mul3A_423, %dma_wait3A_428] : memref<4096x128xi32, #tpu.memory_space<hbm>> -> memref<128x128xi32, #tpu.memory_space<hbm>>
        %dma_wait3A_430 = tpu.memref_slice %run_scoped3A_13[%rem3A_421] : memref<2x!tpu.dma_semaphore, #tpu.memory_space<semaphore_mem>> -> memref<1x!tpu.dma_semaphore, #tpu.memory_space<semaphore_mem>>
        %dma_wait3A_431 = tpu.memref_squeeze %dma_wait3A_430 : memref<1x!tpu.dma_semaphore, #tpu.memory_space<semaphore_mem>> -> memref<!tpu.dma_semaphore, #tpu.memory_space<semaphore_mem>>
        %dma_wait3A_432 = arith.constant 0 : i32
        %dma_wait3A_433 = tpu.memref_slice %arg7[%mul3A_423, %dma_wait3A_432] : memref<4096x128xi32, #tpu.memory_space<hbm>> -> memref<128x128xi32, #tpu.memory_space<hbm>>
        %dma_wait3A_434 = arith.constant 0 : i32
        %dma_wait3A_435 = arith.constant 0 : i32
        %dma_wait3A_436 = tpu.memref_slice %run_scoped3A_12[%rem3A_421, %dma_wait3A_434, %dma_wait3A_435] : memref<2x128x128xi32, #tpu.memory_space<vmem>> -> memref<1x128x128xi32, #tpu.memory_space<vmem>>
        %dma_wait3A_437 = tpu.memref_squeeze %dma_wait3A_436 : memref<1x128x128xi32, #tpu.memory_space<vmem>> -> memref<128x128xi32, #tpu.memory_space<vmem>>
        tpu.wait_dma2 semaphore(%dma_wait3A_431 : memref<!tpu.dma_semaphore, #tpu.memory_space<semaphore_mem>>) src(%dma_wait3A_437 : memref<128x128xi32, #tpu.memory_space<vmem>>) dst(%dma_wait3A_433 : memref<128x128xi32, #tpu.memory_space<hbm>>)
        "tpu.trace_stop"() : () -> ()
      } else {
      }
      %and3A_317 = arith.constant true
      %and3A_318 = arith.andi %and3A_313, %and3A_317 : i1
      %add3A_319 = arith.constant 1 : i32
      %add3A_320 = arith.addi %scan3A_96, %add3A_319 : i32
      %select_n3A_321 = arith.select %and3A_318, %add3A_320, %scan3A_96 : i32
      %ne3A_322 = arith.cmpi ne, %add3A_104, %add3A_124 : i32
      %or3A_323 = arith.constant false
      %or3A_324 = arith.ori %or3A_323, %ne3A_322 : i1
      %or3A_325 = arith.ori %or3A_324, %eq3A_102 : i1
      %add3A_326 = arith.constant 1 : i32
      %add3A_327 = arith.addi %scan3A, %add3A_326 : i32
      %select_n3A_328 = arith.select %or3A_325, %add3A_327, %scan3A : i32
      %ne3A_329 = arith.cmpi ne, %add3A_104, %add3A_124 : i32
      %or3A_330 = arith.constant false
      %or3A_331 = arith.ori %or3A_330, %ne3A_329 : i1
      %or3A_332 = arith.ori %or3A_331, %eq3A_102 : i1
      %add3A_333 = arith.constant 1 : i32
      %add3A_334 = arith.addi %scan3A_92, %add3A_333 : i32
      %select_n3A_335 = arith.select %or3A_332, %add3A_334, %scan3A_92 : i32
      %select_n3A_336 = arith.constant true
      %select_n3A_337 = arith.constant 0 : i32
      %select_n3A_338 = arith.constant 1 : i32
      %select_n3A_339 = arith.select %select_n3A_336, %select_n3A_338, %select_n3A_337 : i32
      %eq3A_340 = arith.constant 1 : i32
      %eq3A_341 = arith.cmpi eq, %select_n3A_339, %eq3A_340 : i32
      %select_n3A_342 = arith.constant 0 : i32
      %select_n3A_343 = arith.select %eq3A_341, %select_n3A_342, %select_n3A_339 : i32
      %scan3A_344 = arith.constant 0 : i32
      %scan3A_345 = arith.constant 1 : i32
      %sub3A = arith.constant 1 : i32
      %sub3A_346 = arith.subi %scan3A_344, %sub3A : i32
      %select_n3A_347 = arith.constant true
      %select_n3A_348 = arith.select %select_n3A_347, %sub3A_346, %scan3A_344 : i32
      %eq3A_349 = arith.constant -1 : i32
      %eq3A_350 = arith.cmpi eq, %select_n3A_348, %eq3A_349 : i32
      %select_n3A_351 = arith.constant 0 : i32
      %select_n3A_352 = arith.select %eq3A_350, %select_n3A_351, %select_n3A_348 : i32
      %add3A_353 = arith.constant 0 : i32
      %add3A_354 = arith.addi %add3A_353, %mul3A_6 : i32
      %select_n3A_355 = arith.constant true
      %select_n3A_356 = arith.constant 0 : i32
      %select_n3A_357 = arith.constant -1 : i32
      %select_n3A_358 = arith.select %select_n3A_355, %select_n3A_357, %select_n3A_356 : i32
      %eq3A_359 = arith.constant -1 : i32
      %eq3A_360 = arith.cmpi eq, %select_n3A_358, %eq3A_359 : i32
      %select_n3A_361 = arith.constant 0 : i32
      %select_n3A_362 = arith.select %eq3A_360, %select_n3A_361, %select_n3A_358 : i32
      %add3A_363 = arith.constant 0 : i32
      %add3A_364 = arith.addi %add3A_363, %mul3A_6 : i32
      %select_n3A_365 = arith.constant true
      %select_n3A_366 = arith.constant 0 : i32
      %select_n3A_367 = arith.constant 1 : i32
      %select_n3A_368 = arith.select %select_n3A_365, %select_n3A_367, %select_n3A_366 : i32
      %eq3A_369 = arith.constant 1 : i32
      %eq3A_370 = arith.cmpi eq, %select_n3A_368, %eq3A_369 : i32
      %select_n3A_371 = arith.constant 0 : i32
      %select_n3A_372 = arith.select %eq3A_370, %select_n3A_371, %select_n3A_368 : i32
      %add3A_373 = arith.constant 0 : i32
      %add3A_374 = arith.addi %add3A_373, %mul3A_6 : i32
      %select_n3A_375 = arith.constant true
      %select_n3A_376 = arith.constant 0 : i32
      %select_n3A_377 = arith.constant 1 : i32
      %select_n3A_378 = arith.select %select_n3A_375, %select_n3A_377, %select_n3A_376 : i32
      %eq3A_379 = arith.constant 1 : i32
      %eq3A_380 = arith.cmpi eq, %select_n3A_378, %eq3A_379 : i32
      %select_n3A_381 = arith.constant 0 : i32
      %select_n3A_382 = arith.select %eq3A_380, %select_n3A_381, %select_n3A_378 : i32
      %add3A_383 = arith.constant 0 : i32
      %add3A_384 = arith.addi %add3A_383, %mul3A_6 : i32
      "tpu.trace_start"() <{level = 10 : i32, message = "ep_finalize"}> : () -> ()
      %rem3A_385 = arith.constant 2 : i32
      %rem3A_386 = arith.remui %select_n3A_305, %rem3A_385 : i32
      %mul3A_387 = arith.constant 128 : i32
      %mul3A_388 = arith.muli %mul3A_387, %add3A_354 : i32
      %dma_wait3A = arith.constant 0 : i32
      %dma_wait3A_389 = arith.constant 0 : i32
      %dma_wait3A_390 = tpu.memref_slice %run_scoped3A_10[%rem3A_386, %dma_wait3A, %dma_wait3A_389] : memref<2x128x128xi32, #tpu.memory_space<vmem>> -> memref<1x128x128xi32, #tpu.memory_space<vmem>>
      %dma_wait3A_391 = tpu.memref_squeeze %dma_wait3A_390 : memref<1x128x128xi32, #tpu.memory_space<vmem>> -> memref<128x128xi32, #tpu.memory_space<vmem>>
      %dma_wait3A_392 = arith.constant 0 : i32
      %dma_wait3A_393 = tpu.memref_slice %arg6[%mul3A_388, %dma_wait3A_392] : memref<4096x128xi32, #tpu.memory_space<hbm>> -> memref<128x128xi32, #tpu.memory_space<hbm>>
      %dma_wait3A_394 = tpu.memref_slice %run_scoped3A_11[%rem3A_386] : memref<2x!tpu.dma_semaphore, #tpu.memory_space<semaphore_mem>> -> memref<1x!tpu.dma_semaphore, #tpu.memory_space<semaphore_mem>>
      %dma_wait3A_395 = tpu.memref_squeeze %dma_wait3A_394 : memref<1x!tpu.dma_semaphore, #tpu.memory_space<semaphore_mem>> -> memref<!tpu.dma_semaphore, #tpu.memory_space<semaphore_mem>>
      %dma_wait3A_396 = arith.constant 0 : i32
      %dma_wait3A_397 = tpu.memref_slice %arg6[%mul3A_388, %dma_wait3A_396] : memref<4096x128xi32, #tpu.memory_space<hbm>> -> memref<128x128xi32, #tpu.memory_space<hbm>>
      %dma_wait3A_398 = arith.constant 0 : i32
      %dma_wait3A_399 = arith.constant 0 : i32
      %dma_wait3A_400 = tpu.memref_slice %run_scoped3A_10[%rem3A_386, %dma_wait3A_398, %dma_wait3A_399] : memref<2x128x128xi32, #tpu.memory_space<vmem>> -> memref<1x128x128xi32, #tpu.memory_space<vmem>>
      %dma_wait3A_401 = tpu.memref_squeeze %dma_wait3A_400 : memref<1x128x128xi32, #tpu.memory_space<vmem>> -> memref<128x128xi32, #tpu.memory_space<vmem>>
      tpu.wait_dma2 semaphore(%dma_wait3A_395 : memref<!tpu.dma_semaphore, #tpu.memory_space<semaphore_mem>>) src(%dma_wait3A_401 : memref<128x128xi32, #tpu.memory_space<vmem>>) dst(%dma_wait3A_397 : memref<128x128xi32, #tpu.memory_space<hbm>>)
      %rem3A_402 = arith.constant 2 : i32
      %rem3A_403 = arith.remui %select_n3A_321, %rem3A_402 : i32
      %mul3A_404 = arith.constant 128 : i32
      %mul3A_405 = arith.muli %mul3A_404, %add3A_354 : i32
      %dma_wait3A_406 = arith.constant 0 : i32
      %dma_wait3A_407 = arith.constant 0 : i32
      %dma_wait3A_408 = tpu.memref_slice %run_scoped3A_12[%rem3A_403, %dma_wait3A_406, %dma_wait3A_407] : memref<2x128x128xi32, #tpu.memory_space<vmem>> -> memref<1x128x128xi32, #tpu.memory_space<vmem>>
      %dma_wait3A_409 = tpu.memref_squeeze %dma_wait3A_408 : memref<1x128x128xi32, #tpu.memory_space<vmem>> -> memref<128x128xi32, #tpu.memory_space<vmem>>
      %dma_wait3A_410 = arith.constant 0 : i32
      %dma_wait3A_411 = tpu.memref_slice %arg7[%mul3A_405, %dma_wait3A_410] : memref<4096x128xi32, #tpu.memory_space<hbm>> -> memref<128x128xi32, #tpu.memory_space<hbm>>
      %dma_wait3A_412 = tpu.memref_slice %run_scoped3A_13[%rem3A_403] : memref<2x!tpu.dma_semaphore, #tpu.memory_space<semaphore_mem>> -> memref<1x!tpu.dma_semaphore, #tpu.memory_space<semaphore_mem>>
      %dma_wait3A_413 = tpu.memref_squeeze %dma_wait3A_412 : memref<1x!tpu.dma_semaphore, #tpu.memory_space<semaphore_mem>> -> memref<!tpu.dma_semaphore, #tpu.memory_space<semaphore_mem>>
      %dma_wait3A_414 = arith.constant 0 : i32
      %dma_wait3A_415 = tpu.memref_slice %arg7[%mul3A_405, %dma_wait3A_414] : memref<4096x128xi32, #tpu.memory_space<hbm>> -> memref<128x128xi32, #tpu.memory_space<hbm>>
      %dma_wait3A_416 = arith.constant 0 : i32
      %dma_wait3A_417 = arith.constant 0 : i32
      %dma_wait3A_418 = tpu.memref_slice %run_scoped3A_12[%rem3A_403, %dma_wait3A_416, %dma_wait3A_417] : memref<2x128x128xi32, #tpu.memory_space<vmem>> -> memref<1x128x128xi32, #tpu.memory_space<vmem>>
      %dma_wait3A_419 = tpu.memref_squeeze %dma_wait3A_418 : memref<1x128x128xi32, #tpu.memory_space<vmem>> -> memref<128x128xi32, #tpu.memory_space<vmem>>
      tpu.wait_dma2 semaphore(%dma_wait3A_413 : memref<!tpu.dma_semaphore, #tpu.memory_space<semaphore_mem>>) src(%dma_wait3A_419 : memref<128x128xi32, #tpu.memory_space<vmem>>) dst(%dma_wait3A_415 : memref<128x128xi32, #tpu.memory_space<hbm>>)
      "tpu.trace_stop"() : () -> ()
      tpu.yield
    }) : () -> ()
    return
  }
}

module attributes {stable_mosaic.version = 14 : i64} {
  func.func @_main_body(%arg0: i32, %arg1: memref<512x2048xf32, #tpu.memory_space<vmem>>, %arg2: memref<2048x1024xbf16, #tpu.memory_space<vmem>>, %arg3: memref<1x1024xf32, #tpu.memory_space<vmem>>, %arg4: memref<2048x1024xbf16, #tpu.memory_space<vmem>>, %arg5: memref<1x1024xf32, #tpu.memory_space<vmem>>, %arg6: memref<1024x16xbf16, #tpu.memory_space<vmem>>, %arg7: memref<1x16xf32, #tpu.memory_space<vmem>>, %arg8: memref<1024x512xbf16, #tpu.memory_space<vmem>>, %arg9: memref<1x512xf32, #tpu.memory_space<vmem>>, %arg10: memref<1024x512xbf16, #tpu.memory_space<vmem>>, %arg11: memref<1x512xf32, #tpu.memory_space<vmem>>, %arg12: memref<1024x1024xbf16, #tpu.memory_space<vmem>>, %arg13: memref<1x1024xf32, #tpu.memory_space<vmem>>, %arg14: memref<1024x1024xbf16, #tpu.memory_space<vmem>>, %arg15: memref<1x1024xf32, #tpu.memory_space<vmem>>, %arg16: memref<512x1024xf32, #tpu.memory_space<vmem>>, %arg17: memref<512x1024xf32, #tpu.memory_space<vmem>>, %arg18: memref<512x16xf32, #tpu.memory_space<vmem>>, %arg19: memref<512x1xi32, #tpu.memory_space<vmem>>, %arg20: memref<512x1xi32, #tpu.memory_space<vmem>>, %arg21: memref<512x1xi32, #tpu.memory_space<vmem>>, %arg22: memref<512x512xi32, #tpu.memory_space<vmem>>, %arg23: memref<512x1024xi32, #tpu.memory_space<vmem>>) attributes {dimension_semantics = [#tpu.dimension_semantics<arbitrary>], iteration_bounds = array<i64: 8>, scalar_prefetch = 0 : i64, scratch_operands = 0 : i64, tpu.core_type = #tpu.core_type<tc>, window_params = [{transform_indices = @transform_0, window_bounds = array<i64: 512, 2048>}, {pipeline_mode = #tpu.pipeline_mode<synchronous>, transform_indices = @transform_1, window_bounds = array<i64: 2048, 1024>}, {pipeline_mode = #tpu.pipeline_mode<synchronous>, transform_indices = @transform_2, window_bounds = array<i64: 1, 1024>}, {pipeline_mode = #tpu.pipeline_mode<synchronous>, transform_indices = @transform_3, window_bounds = array<i64: 2048, 1024>}, {pipeline_mode = #tpu.pipeline_mode<synchronous>, transform_indices = @transform_4, window_bounds = array<i64: 1, 1024>}, {pipeline_mode = #tpu.pipeline_mode<synchronous>, transform_indices = @transform_5, window_bounds = array<i64: 1024, 16>}, {pipeline_mode = #tpu.pipeline_mode<synchronous>, transform_indices = @transform_6, window_bounds = array<i64: 1, 16>}, {pipeline_mode = #tpu.pipeline_mode<synchronous>, transform_indices = @transform_7, window_bounds = array<i64: 1024, 512>}, {pipeline_mode = #tpu.pipeline_mode<synchronous>, transform_indices = @transform_8, window_bounds = array<i64: 1, 512>}, {pipeline_mode = #tpu.pipeline_mode<synchronous>, transform_indices = @transform_9, window_bounds = array<i64: 1024, 512>}, {pipeline_mode = #tpu.pipeline_mode<synchronous>, transform_indices = @transform_10, window_bounds = array<i64: 1, 512>}, {pipeline_mode = #tpu.pipeline_mode<synchronous>, transform_indices = @transform_11, window_bounds = array<i64: 1024, 1024>}, {pipeline_mode = #tpu.pipeline_mode<synchronous>, transform_indices = @transform_12, window_bounds = array<i64: 1, 1024>}, {pipeline_mode = #tpu.pipeline_mode<synchronous>, transform_indices = @transform_13, window_bounds = array<i64: 1024, 1024>}, {pipeline_mode = #tpu.pipeline_mode<synchronous>, transform_indices = @transform_14, window_bounds = array<i64: 1, 1024>}, {transform_indices = @transform_15, window_bounds = array<i64: 512, 1024>}, {transform_indices = @transform_16, window_bounds = array<i64: 512, 1024>}, {transform_indices = @transform_17, window_bounds = array<i64: 512, 16>}, {transform_indices = @transform_18, window_bounds = array<i64: 512, 1>}, {transform_indices = @transform_19, window_bounds = array<i64: 512, 1>}, {transform_indices = @transform_20, window_bounds = array<i64: 512, 1>}, {transform_indices = @transform_21, window_bounds = array<i64: 512, 512>}, {transform_indices = @transform_22, window_bounds = array<i64: 512, 1024>}]} {
    %get3A = arith.constant 0 : index
    %get3A_0 = arith.constant 0 : index
    %get3A_1 = vector.load %arg1[%get3A, %get3A_0] : memref<512x2048xf32, #tpu.memory_space<vmem>>, vector<512x2048xf32>
    %convert_element_type3A = arith.truncf %get3A_1 : vector<512x2048xf32> to vector<512x2048xbf16>
    %get3A_2 = arith.constant 0 : index
    %get3A_3 = arith.constant 0 : index
    %get3A_4 = vector.load %arg2[%get3A_2, %get3A_3] : memref<2048x1024xbf16, #tpu.memory_space<vmem>>, vector<2048x1024xbf16>
    %dot_general3A = arith.constant dense<0.000000e+00> : vector<512x1024xf32>
    %dot_general3A_5 = tpu.matmul %convert_element_type3A, %get3A_4, %dot_general3A {dimension_numbers = #tpu.dot_dimension_numbers<[1], [0], [0], [1], [0, 0, 1, 1], [], []>, transpose_lhs_hint = false} : vector<512x2048xbf16>, vector<2048x1024xbf16>, vector<512x1024xf32> -> vector<512x1024xf32>
    %get3A_6 = arith.constant 0 : index
    %get3A_7 = arith.constant 0 : index
    %get3A_8 = vector.load %arg3[%get3A_6, %get3A_7] : memref<1x1024xf32, #tpu.memory_space<vmem>>, vector<1x1024xf32>
    %add3A = vector.broadcast %get3A_8 : vector<1x1024xf32> to vector<512x1024xf32>
    %add3A_9 = arith.addf %dot_general3A_5, %add3A : vector<512x1024xf32>
    %reduce_sum3A = arith.constant dense<0.000000e+00> : vector<512xf32>
    %reduce_sum3A_10 = vector.multi_reduction <add>, %add3A_9, %reduce_sum3A [1] : vector<512x1024xf32> to vector<512xf32>
    %broadcast_in_dim3A = vector.shape_cast %reduce_sum3A_10 : vector<512xf32> to vector<512x1xf32>
    %div3A = arith.constant 1.024000e+03 : f32
    %div3A_11 = vector.broadcast %div3A : f32 to vector<512x1xf32>
    %div3A_12 = arith.divf %broadcast_in_dim3A, %div3A_11 : vector<512x1xf32>
    %sub3A = vector.broadcast %div3A_12 : vector<512x1xf32> to vector<512x1024xf32>
    %sub3A_13 = arith.subf %add3A_9, %sub3A : vector<512x1024xf32>
    %integer_pow3A = arith.mulf %sub3A_13, %sub3A_13 : vector<512x1024xf32>
    %reduce_sum3A_14 = arith.constant dense<0.000000e+00> : vector<512xf32>
    %reduce_sum3A_15 = vector.multi_reduction <add>, %integer_pow3A, %reduce_sum3A_14 [1] : vector<512x1024xf32> to vector<512xf32>
    %broadcast_in_dim3A_16 = vector.shape_cast %reduce_sum3A_15 : vector<512xf32> to vector<512x1xf32>
    %div3A_17 = arith.constant 1.024000e+03 : f32
    %div3A_18 = vector.broadcast %div3A_17 : f32 to vector<512x1xf32>
    %div3A_19 = arith.divf %broadcast_in_dim3A_16, %div3A_18 : vector<512x1xf32>
    %sub3A_20 = vector.broadcast %div3A_12 : vector<512x1xf32> to vector<512x1024xf32>
    %sub3A_21 = arith.subf %add3A_9, %sub3A_20 : vector<512x1024xf32>
    %add3A_22 = arith.constant 9.99999974E-6 : f32
    %add3A_23 = vector.broadcast %add3A_22 : f32 to vector<512x1xf32>
    %add3A_24 = arith.addf %div3A_19, %add3A_23 : vector<512x1xf32>
    %sqrt3A = math.sqrt %add3A_24 : vector<512x1xf32>
    %div3A_25 = vector.broadcast %sqrt3A : vector<512x1xf32> to vector<512x1024xf32>
    %div3A_26 = arith.divf %sub3A_21, %div3A_25 : vector<512x1024xf32>
    %swap3A = arith.constant 0 : index
    %swap3A_27 = arith.constant 0 : index
    %swap3A_28 = vector.load %arg16[%swap3A, %swap3A_27] : memref<512x1024xf32, #tpu.memory_space<vmem>>, vector<512x1024xf32>
    tpu.vector_store %arg16[%swap3A, %swap3A_27], %div3A_26 {strides = array<i32>} : memref<512x1024xf32, #tpu.memory_space<vmem>>, vector<512x1024xf32>,
    %get3A_29 = arith.constant 0 : index
    %get3A_30 = arith.constant 0 : index
    %get3A_31 = vector.load %arg4[%get3A_29, %get3A_30] : memref<2048x1024xbf16, #tpu.memory_space<vmem>>, vector<2048x1024xbf16>
    %dot_general3A_32 = arith.constant dense<0.000000e+00> : vector<512x1024xf32>
    %dot_general3A_33 = tpu.matmul %convert_element_type3A, %get3A_31, %dot_general3A_32 {dimension_numbers = #tpu.dot_dimension_numbers<[1], [0], [0], [1], [0, 0, 1, 1], [], []>, transpose_lhs_hint = false} : vector<512x2048xbf16>, vector<2048x1024xbf16>, vector<512x1024xf32> -> vector<512x1024xf32>
    %get3A_34 = arith.constant 0 : index
    %get3A_35 = arith.constant 0 : index
    %get3A_36 = vector.load %arg5[%get3A_34, %get3A_35] : memref<1x1024xf32, #tpu.memory_space<vmem>>, vector<1x1024xf32>
    %add3A_37 = vector.broadcast %get3A_36 : vector<1x1024xf32> to vector<512x1024xf32>
    %add3A_38 = arith.addf %dot_general3A_33, %add3A_37 : vector<512x1024xf32>
    %reduce_sum3A_39 = arith.constant dense<0.000000e+00> : vector<512xf32>
    %reduce_sum3A_40 = vector.multi_reduction <add>, %add3A_38, %reduce_sum3A_39 [1] : vector<512x1024xf32> to vector<512xf32>
    %broadcast_in_dim3A_41 = vector.shape_cast %reduce_sum3A_40 : vector<512xf32> to vector<512x1xf32>
    %div3A_42 = arith.constant 1.024000e+03 : f32
    %div3A_43 = vector.broadcast %div3A_42 : f32 to vector<512x1xf32>
    %div3A_44 = arith.divf %broadcast_in_dim3A_41, %div3A_43 : vector<512x1xf32>
    %sub3A_45 = vector.broadcast %div3A_44 : vector<512x1xf32> to vector<512x1024xf32>
    %sub3A_46 = arith.subf %add3A_38, %sub3A_45 : vector<512x1024xf32>
    %integer_pow3A_47 = arith.mulf %sub3A_46, %sub3A_46 : vector<512x1024xf32>
    %reduce_sum3A_48 = arith.constant dense<0.000000e+00> : vector<512xf32>
    %reduce_sum3A_49 = vector.multi_reduction <add>, %integer_pow3A_47, %reduce_sum3A_48 [1] : vector<512x1024xf32> to vector<512xf32>
    %broadcast_in_dim3A_50 = vector.shape_cast %reduce_sum3A_49 : vector<512xf32> to vector<512x1xf32>
    %div3A_51 = arith.constant 1.024000e+03 : f32
    %div3A_52 = vector.broadcast %div3A_51 : f32 to vector<512x1xf32>
    %div3A_53 = arith.divf %broadcast_in_dim3A_50, %div3A_52 : vector<512x1xf32>
    %sub3A_54 = vector.broadcast %div3A_44 : vector<512x1xf32> to vector<512x1024xf32>
    %sub3A_55 = arith.subf %add3A_38, %sub3A_54 : vector<512x1024xf32>
    %add3A_56 = arith.constant 9.99999974E-6 : f32
    %add3A_57 = vector.broadcast %add3A_56 : f32 to vector<512x1xf32>
    %add3A_58 = arith.addf %div3A_53, %add3A_57 : vector<512x1xf32>
    %sqrt3A_59 = math.sqrt %add3A_58 : vector<512x1xf32>
    %div3A_60 = vector.broadcast %sqrt3A_59 : vector<512x1xf32> to vector<512x1024xf32>
    %div3A_61 = arith.divf %sub3A_55, %div3A_60 : vector<512x1024xf32>
    %swap3A_62 = arith.constant 0 : index
    %swap3A_63 = arith.constant 0 : index
    %swap3A_64 = vector.load %arg17[%swap3A_62, %swap3A_63] : memref<512x1024xf32, #tpu.memory_space<vmem>>, vector<512x1024xf32>
    tpu.vector_store %arg17[%swap3A_62, %swap3A_63], %div3A_61 {strides = array<i32>} : memref<512x1024xf32, #tpu.memory_space<vmem>>, vector<512x1024xf32>,
    %convert_element_type3A_65 = arith.truncf %div3A_26 : vector<512x1024xf32> to vector<512x1024xbf16>
    %get3A_66 = arith.constant 0 : index
    %get3A_67 = arith.constant 0 : index
    %get3A_68 = vector.load %arg6[%get3A_66, %get3A_67] : memref<1024x16xbf16, #tpu.memory_space<vmem>>, vector<1024x16xbf16>
    %dot_general3A_69 = arith.constant dense<0.000000e+00> : vector<512x16xf32>
    %dot_general3A_70 = tpu.matmul %convert_element_type3A_65, %get3A_68, %dot_general3A_69 {dimension_numbers = #tpu.dot_dimension_numbers<[1], [0], [0], [1], [0, 0, 1, 1], [], []>, transpose_lhs_hint = false} : vector<512x1024xbf16>, vector<1024x16xbf16>, vector<512x16xf32> -> vector<512x16xf32>
    %get3A_71 = arith.constant 0 : index
    %get3A_72 = arith.constant 0 : index
    %get3A_73 = vector.load %arg7[%get3A_71, %get3A_72] : memref<1x16xf32, #tpu.memory_space<vmem>>, vector<1x16xf32>
    %add3A_74 = vector.broadcast %get3A_73 : vector<1x16xf32> to vector<512x16xf32>
    %add3A_75 = arith.addf %dot_general3A_70, %add3A_74 : vector<512x16xf32>
    %reduce_sum3A_76 = arith.constant dense<0.000000e+00> : vector<512xf32>
    %reduce_sum3A_77 = vector.multi_reduction <add>, %add3A_75, %reduce_sum3A_76 [1] : vector<512x16xf32> to vector<512xf32>
    %broadcast_in_dim3A_78 = vector.shape_cast %reduce_sum3A_77 : vector<512xf32> to vector<512x1xf32>
    %div3A_79 = arith.constant 1.600000e+01 : f32
    %div3A_80 = vector.broadcast %div3A_79 : f32 to vector<512x1xf32>
    %div3A_81 = arith.divf %broadcast_in_dim3A_78, %div3A_80 : vector<512x1xf32>
    %sub3A_82 = vector.broadcast %div3A_81 : vector<512x1xf32> to vector<512x16xf32>
    %sub3A_83 = arith.subf %add3A_75, %sub3A_82 : vector<512x16xf32>
    %integer_pow3A_84 = arith.mulf %sub3A_83, %sub3A_83 : vector<512x16xf32>
    %reduce_sum3A_85 = arith.constant dense<0.000000e+00> : vector<512xf32>
    %reduce_sum3A_86 = vector.multi_reduction <add>, %integer_pow3A_84, %reduce_sum3A_85 [1] : vector<512x16xf32> to vector<512xf32>
    %broadcast_in_dim3A_87 = vector.shape_cast %reduce_sum3A_86 : vector<512xf32> to vector<512x1xf32>
    %div3A_88 = arith.constant 1.600000e+01 : f32
    %div3A_89 = vector.broadcast %div3A_88 : f32 to vector<512x1xf32>
    %div3A_90 = arith.divf %broadcast_in_dim3A_87, %div3A_89 : vector<512x1xf32>
    %sub3A_91 = vector.broadcast %div3A_81 : vector<512x1xf32> to vector<512x16xf32>
    %sub3A_92 = arith.subf %add3A_75, %sub3A_91 : vector<512x16xf32>
    %add3A_93 = arith.constant 9.99999974E-6 : f32
    %add3A_94 = vector.broadcast %add3A_93 : f32 to vector<512x1xf32>
    %add3A_95 = arith.addf %div3A_90, %add3A_94 : vector<512x1xf32>
    %sqrt3A_96 = math.sqrt %add3A_95 : vector<512x1xf32>
    %div3A_97 = vector.broadcast %sqrt3A_96 : vector<512x1xf32> to vector<512x16xf32>
    %div3A_98 = arith.divf %sub3A_92, %div3A_97 : vector<512x16xf32>
    %swap3A_99 = arith.constant 0 : index
    %swap3A_100 = arith.constant 0 : index
    %swap3A_101 = vector.load %arg18[%swap3A_99, %swap3A_100] : memref<512x16xf32, #tpu.memory_space<vmem>>, vector<512x16xf32>
    tpu.vector_store %arg18[%swap3A_99, %swap3A_100], %div3A_98 {strides = array<i32>} : memref<512x16xf32, #tpu.memory_space<vmem>>, vector<512x16xf32>,
    %reduce_max3A = arith.constant dense<0xFF800000> : vector<512xf32>
    %reduce_max3A_102 = vector.multi_reduction <maximumf>, %add3A_75, %reduce_max3A [1] : vector<512x16xf32> to vector<512xf32>
    %broadcast_in_dim3A_103 = vector.shape_cast %reduce_max3A_102 : vector<512xf32> to vector<512x1xf32>
    %iota3A = tpu.iota {dimensions = array<i32: 1>} : vector<512x16xi32>
    %ge3A = vector.broadcast %broadcast_in_dim3A_103 : vector<512x1xf32> to vector<512x16xf32>
    %ge3A_104 = arith.cmpf oge, %add3A_75, %ge3A : vector<512x16xf32>
    %jit3A = arith.constant 16 : i32
    %broadcast_in_dim3A_105 = vector.broadcast %jit3A : i32 to vector<512x16xi32>
    %select_n3A = arith.select %ge3A_104, %iota3A, %broadcast_in_dim3A_105 : vector<512x16xi1>, vector<512x16xi32>
    %reduce_min3A = arith.constant dense<2147483647> : vector<512xi32>
    %reduce_min3A_106 = vector.multi_reduction <minsi>, %select_n3A, %reduce_min3A [1] : vector<512x16xi32> to vector<512xi32>
    %broadcast_in_dim3A_107 = vector.shape_cast %reduce_min3A_106 : vector<512xi32> to vector<512x1xi32>
    %mul3A = arith.constant 512 : i32
    %mul3A_108 = arith.muli %arg0, %mul3A : i32
    %iota3A_109 = tpu.iota {dimensions = array<i32: 0>} : vector<512x1xi32>
    %add3A_110 = vector.broadcast %mul3A_108 : i32 to vector<512x1xi32>
    %add3A_111 = arith.addi %add3A_110, %iota3A_109 : vector<512x1xi32>
    %mul3A_112 = arith.constant 16 : i32
    %mul3A_113 = vector.broadcast %mul3A_112 : i32 to vector<512x1xi32>
    %mul3A_114 = arith.muli %add3A_111, %mul3A_113 : vector<512x1xi32>
    %add3A_115 = arith.addi %mul3A_114, %broadcast_in_dim3A_107 : vector<512x1xi32>
    %swap3A_116 = arith.constant 0 : index
    %swap3A_117 = arith.constant 0 : index
    %swap3A_118 = vector.load %arg19[%swap3A_116, %swap3A_117] : memref<512x1xi32, #tpu.memory_space<vmem>>, vector<512x1xi32>
    tpu.vector_store %arg19[%swap3A_116, %swap3A_117], %add3A_115 {strides = array<i32>} : memref<512x1xi32, #tpu.memory_space<vmem>>, vector<512x1xi32>,
    %shift_right_arithmetic3A = arith.constant 2 : i32
    %shift_right_arithmetic3A_119 = vector.broadcast %shift_right_arithmetic3A : i32 to vector<512x1xi32>
    %shift_right_arithmetic3A_120 = arith.shrsi %add3A_115, %shift_right_arithmetic3A_119 : vector<512x1xi32>
    %swap3A_121 = arith.constant 0 : index
    %swap3A_122 = arith.constant 0 : index
    %swap3A_123 = vector.load %arg20[%swap3A_121, %swap3A_122] : memref<512x1xi32, #tpu.memory_space<vmem>>, vector<512x1xi32>
    tpu.vector_store %arg20[%swap3A_121, %swap3A_122], %shift_right_arithmetic3A_120 {strides = array<i32>} : memref<512x1xi32, #tpu.memory_space<vmem>>, vector<512x1xi32>,
    %shift_right_arithmetic3A_124 = arith.constant 1 : i32
    %shift_right_arithmetic3A_125 = vector.broadcast %shift_right_arithmetic3A_124 : i32 to vector<512x1xi32>
    %shift_right_arithmetic3A_126 = arith.shrsi %add3A_115, %shift_right_arithmetic3A_125 : vector<512x1xi32>
    %swap3A_127 = arith.constant 0 : index
    %swap3A_128 = arith.constant 0 : index
    %swap3A_129 = vector.load %arg21[%swap3A_127, %swap3A_128] : memref<512x1xi32, #tpu.memory_space<vmem>>, vector<512x1xi32>
    tpu.vector_store %arg21[%swap3A_127, %swap3A_128], %shift_right_arithmetic3A_126 {strides = array<i32>} : memref<512x1xi32, #tpu.memory_space<vmem>>, vector<512x1xi32>,
    %convert_element_type3A_130 = arith.truncf %div3A_61 : vector<512x1024xf32> to vector<512x1024xbf16>
    %get3A_131 = arith.constant 0 : index
    %get3A_132 = arith.constant 0 : index
    %get3A_133 = vector.load %arg8[%get3A_131, %get3A_132] : memref<1024x512xbf16, #tpu.memory_space<vmem>>, vector<1024x512xbf16>
    %dot_general3A_134 = arith.constant dense<0.000000e+00> : vector<512x512xf32>
    %dot_general3A_135 = tpu.matmul %convert_element_type3A_130, %get3A_133, %dot_general3A_134 {dimension_numbers = #tpu.dot_dimension_numbers<[1], [0], [0], [1], [0, 0, 1, 1], [], []>, transpose_lhs_hint = false} : vector<512x1024xbf16>, vector<1024x512xbf16>, vector<512x512xf32> -> vector<512x512xf32>
    %get3A_136 = arith.constant 0 : index
    %get3A_137 = arith.constant 0 : index
    %get3A_138 = vector.load %arg9[%get3A_136, %get3A_137] : memref<1x512xf32, #tpu.memory_space<vmem>>, vector<1x512xf32>
    %add3A_139 = vector.broadcast %get3A_138 : vector<1x512xf32> to vector<512x512xf32>
    %add3A_140 = arith.addf %dot_general3A_135, %add3A_139 : vector<512x512xf32>
    %get3A_141 = arith.constant 0 : index
    %get3A_142 = arith.constant 0 : index
    %get3A_143 = vector.load %arg10[%get3A_141, %get3A_142] : memref<1024x512xbf16, #tpu.memory_space<vmem>>, vector<1024x512xbf16>
    %dot_general3A_144 = arith.constant dense<0.000000e+00> : vector<512x512xf32>
    %dot_general3A_145 = tpu.matmul %convert_element_type3A_130, %get3A_143, %dot_general3A_144 {dimension_numbers = #tpu.dot_dimension_numbers<[1], [0], [0], [1], [0, 0, 1, 1], [], []>, transpose_lhs_hint = false} : vector<512x1024xbf16>, vector<1024x512xbf16>, vector<512x512xf32> -> vector<512x512xf32>
    %get3A_146 = arith.constant 0 : index
    %get3A_147 = arith.constant 0 : index
    %get3A_148 = vector.load %arg11[%get3A_146, %get3A_147] : memref<1x512xf32, #tpu.memory_space<vmem>>, vector<1x512xf32>
    %add3A_149 = vector.broadcast %get3A_148 : vector<1x512xf32> to vector<512x512xf32>
    %add3A_150 = arith.addf %dot_general3A_145, %add3A_149 : vector<512x512xf32>
    %bitcast_convert_type3A = tpu.bitcast %add3A_140 : vector<512x512xf32> -> vector<512x512xi32>
    %bitcast_convert_type3A_151 = tpu.bitcast %add3A_150 : vector<512x512xf32> -> vector<512x512xi32>
    %add3A_152 = arith.constant 32767 : i32
    %add3A_153 = vector.broadcast %add3A_152 : i32 to vector<512x512xi32>
    %add3A_154 = arith.addi %bitcast_convert_type3A, %add3A_153 : vector<512x512xi32>
    %shift_right_arithmetic3A_155 = arith.constant 16 : i32
    %shift_right_arithmetic3A_156 = vector.broadcast %shift_right_arithmetic3A_155 : i32 to vector<512x512xi32>
    %shift_right_arithmetic3A_157 = arith.shrsi %bitcast_convert_type3A, %shift_right_arithmetic3A_156 : vector<512x512xi32>
    %and3A = arith.constant 1 : i32
    %and3A_158 = vector.broadcast %and3A : i32 to vector<512x512xi32>
    %and3A_159 = arith.andi %shift_right_arithmetic3A_157, %and3A_158 : vector<512x512xi32>
    %add3A_160 = arith.addi %add3A_154, %and3A_159 : vector<512x512xi32>
    %add3A_161 = arith.constant 32767 : i32
    %add3A_162 = vector.broadcast %add3A_161 : i32 to vector<512x512xi32>
    %add3A_163 = arith.addi %bitcast_convert_type3A_151, %add3A_162 : vector<512x512xi32>
    %shift_right_arithmetic3A_164 = arith.constant 16 : i32
    %shift_right_arithmetic3A_165 = vector.broadcast %shift_right_arithmetic3A_164 : i32 to vector<512x512xi32>
    %shift_right_arithmetic3A_166 = arith.shrsi %bitcast_convert_type3A_151, %shift_right_arithmetic3A_165 : vector<512x512xi32>
    %and3A_167 = arith.constant 1 : i32
    %and3A_168 = vector.broadcast %and3A_167 : i32 to vector<512x512xi32>
    %and3A_169 = arith.andi %shift_right_arithmetic3A_166, %and3A_168 : vector<512x512xi32>
    %add3A_170 = arith.addi %add3A_163, %and3A_169 : vector<512x512xi32>
    %and3A_171 = arith.constant -65536 : i32
    %and3A_172 = vector.broadcast %and3A_171 : i32 to vector<512x512xi32>
    %and3A_173 = arith.andi %add3A_170, %and3A_172 : vector<512x512xi32>
    %shift_right_arithmetic3A_174 = arith.constant 16 : i32
    %shift_right_arithmetic3A_175 = vector.broadcast %shift_right_arithmetic3A_174 : i32 to vector<512x512xi32>
    %shift_right_arithmetic3A_176 = arith.shrsi %add3A_160, %shift_right_arithmetic3A_175 : vector<512x512xi32>
    %and3A_177 = arith.constant 65535 : i32
    %and3A_178 = vector.broadcast %and3A_177 : i32 to vector<512x512xi32>
    %and3A_179 = arith.andi %shift_right_arithmetic3A_176, %and3A_178 : vector<512x512xi32>
    %or3A = arith.ori %and3A_173, %and3A_179 : vector<512x512xi32>
    %swap3A_180 = arith.constant 0 : index
    %swap3A_181 = arith.constant 0 : index
    %swap3A_182 = vector.load %arg22[%swap3A_180, %swap3A_181] : memref<512x512xi32, #tpu.memory_space<vmem>>, vector<512x512xi32>
    tpu.vector_store %arg22[%swap3A_180, %swap3A_181], %or3A {strides = array<i32>} : memref<512x512xi32, #tpu.memory_space<vmem>>, vector<512x512xi32>,
    %get3A_183 = arith.constant 0 : index
    %get3A_184 = arith.constant 0 : index
    %get3A_185 = vector.load %arg12[%get3A_183, %get3A_184] : memref<1024x1024xbf16, #tpu.memory_space<vmem>>, vector<1024x1024xbf16>
    %dot_general3A_186 = arith.constant dense<0.000000e+00> : vector<512x1024xf32>
    %dot_general3A_187 = tpu.matmul %convert_element_type3A_130, %get3A_185, %dot_general3A_186 {dimension_numbers = #tpu.dot_dimension_numbers<[1], [0], [0], [1], [0, 0, 1, 1], [], []>, transpose_lhs_hint = false} : vector<512x1024xbf16>, vector<1024x1024xbf16>, vector<512x1024xf32> -> vector<512x1024xf32>
    %get3A_188 = arith.constant 0 : index
    %get3A_189 = arith.constant 0 : index
    %get3A_190 = vector.load %arg13[%get3A_188, %get3A_189] : memref<1x1024xf32, #tpu.memory_space<vmem>>, vector<1x1024xf32>
    %add3A_191 = vector.broadcast %get3A_190 : vector<1x1024xf32> to vector<512x1024xf32>
    %add3A_192 = arith.addf %dot_general3A_187, %add3A_191 : vector<512x1024xf32>
    %get3A_193 = arith.constant 0 : index
    %get3A_194 = arith.constant 0 : index
    %get3A_195 = vector.load %arg14[%get3A_193, %get3A_194] : memref<1024x1024xbf16, #tpu.memory_space<vmem>>, vector<1024x1024xbf16>
    %dot_general3A_196 = arith.constant dense<0.000000e+00> : vector<512x1024xf32>
    %dot_general3A_197 = tpu.matmul %convert_element_type3A_130, %get3A_195, %dot_general3A_196 {dimension_numbers = #tpu.dot_dimension_numbers<[1], [0], [0], [1], [0, 0, 1, 1], [], []>, transpose_lhs_hint = false} : vector<512x1024xbf16>, vector<1024x1024xbf16>, vector<512x1024xf32> -> vector<512x1024xf32>
    %get3A_198 = arith.constant 0 : index
    %get3A_199 = arith.constant 0 : index
    %get3A_200 = vector.load %arg15[%get3A_198, %get3A_199] : memref<1x1024xf32, #tpu.memory_space<vmem>>, vector<1x1024xf32>
    %add3A_201 = vector.broadcast %get3A_200 : vector<1x1024xf32> to vector<512x1024xf32>
    %add3A_202 = arith.addf %dot_general3A_197, %add3A_201 : vector<512x1024xf32>
    %bitcast_convert_type3A_203 = tpu.bitcast %add3A_192 : vector<512x1024xf32> -> vector<512x1024xi32>
    %bitcast_convert_type3A_204 = tpu.bitcast %add3A_202 : vector<512x1024xf32> -> vector<512x1024xi32>
    %add3A_205 = arith.constant 32767 : i32
    %add3A_206 = vector.broadcast %add3A_205 : i32 to vector<512x1024xi32>
    %add3A_207 = arith.addi %bitcast_convert_type3A_203, %add3A_206 : vector<512x1024xi32>
    %shift_right_arithmetic3A_208 = arith.constant 16 : i32
    %shift_right_arithmetic3A_209 = vector.broadcast %shift_right_arithmetic3A_208 : i32 to vector<512x1024xi32>
    %shift_right_arithmetic3A_210 = arith.shrsi %bitcast_convert_type3A_203, %shift_right_arithmetic3A_209 : vector<512x1024xi32>
    %and3A_211 = arith.constant 1 : i32
    %and3A_212 = vector.broadcast %and3A_211 : i32 to vector<512x1024xi32>
    %and3A_213 = arith.andi %shift_right_arithmetic3A_210, %and3A_212 : vector<512x1024xi32>
    %add3A_214 = arith.addi %add3A_207, %and3A_213 : vector<512x1024xi32>
    %add3A_215 = arith.constant 32767 : i32
    %add3A_216 = vector.broadcast %add3A_215 : i32 to vector<512x1024xi32>
    %add3A_217 = arith.addi %bitcast_convert_type3A_204, %add3A_216 : vector<512x1024xi32>
    %shift_right_arithmetic3A_218 = arith.constant 16 : i32
    %shift_right_arithmetic3A_219 = vector.broadcast %shift_right_arithmetic3A_218 : i32 to vector<512x1024xi32>
    %shift_right_arithmetic3A_220 = arith.shrsi %bitcast_convert_type3A_204, %shift_right_arithmetic3A_219 : vector<512x1024xi32>
    %and3A_221 = arith.constant 1 : i32
    %and3A_222 = vector.broadcast %and3A_221 : i32 to vector<512x1024xi32>
    %and3A_223 = arith.andi %shift_right_arithmetic3A_220, %and3A_222 : vector<512x1024xi32>
    %add3A_224 = arith.addi %add3A_217, %and3A_223 : vector<512x1024xi32>
    %and3A_225 = arith.constant -65536 : i32
    %and3A_226 = vector.broadcast %and3A_225 : i32 to vector<512x1024xi32>
    %and3A_227 = arith.andi %add3A_224, %and3A_226 : vector<512x1024xi32>
    %shift_right_arithmetic3A_228 = arith.constant 16 : i32
    %shift_right_arithmetic3A_229 = vector.broadcast %shift_right_arithmetic3A_228 : i32 to vector<512x1024xi32>
    %shift_right_arithmetic3A_230 = arith.shrsi %add3A_214, %shift_right_arithmetic3A_229 : vector<512x1024xi32>
    %and3A_231 = arith.constant 65535 : i32
    %and3A_232 = vector.broadcast %and3A_231 : i32 to vector<512x1024xi32>
    %and3A_233 = arith.andi %shift_right_arithmetic3A_230, %and3A_232 : vector<512x1024xi32>
    %or3A_234 = arith.ori %and3A_227, %and3A_233 : vector<512x1024xi32>
    %swap3A_235 = arith.constant 0 : index
    %swap3A_236 = arith.constant 0 : index
    %swap3A_237 = vector.load %arg23[%swap3A_235, %swap3A_236] : memref<512x1024xi32, #tpu.memory_space<vmem>>, vector<512x1024xi32>
    tpu.vector_store %arg23[%swap3A_235, %swap3A_236], %or3A_234 {strides = array<i32>} : memref<512x1024xi32, #tpu.memory_space<vmem>>, vector<512x1024xi32>,
    return
  }
  func.func @transform_0(%arg0: i32) -> (i32, i32) {
    %c0_i32 = arith.constant 0 : i32
    %c0_i32_0 = arith.constant 0 : i32
    return %arg0, %c0_i32 : i32, i32
  }
  func.func @transform_1(%arg0: i32) -> (i32, i32) {
    %c0_i32 = arith.constant 0 : i32
    %c0_i32_0 = arith.constant 0 : i32
    %c0_i32_1 = arith.constant 0 : i32
    return %c0_i32, %c0_i32_0 : i32, i32
  }
  func.func @transform_2(%arg0: i32) -> (i32, i32) {
    %c0_i32 = arith.constant 0 : i32
    %c0_i32_0 = arith.constant 0 : i32
    %c0_i32_1 = arith.constant 0 : i32
    return %c0_i32, %c0_i32_0 : i32, i32
  }
  func.func @transform_3(%arg0: i32) -> (i32, i32) {
    %c0_i32 = arith.constant 0 : i32
    %c0_i32_0 = arith.constant 0 : i32
    %c0_i32_1 = arith.constant 0 : i32
    return %c0_i32, %c0_i32_0 : i32, i32
  }
  func.func @transform_4(%arg0: i32) -> (i32, i32) {
    %c0_i32 = arith.constant 0 : i32
    %c0_i32_0 = arith.constant 0 : i32
    %c0_i32_1 = arith.constant 0 : i32
    return %c0_i32, %c0_i32_0 : i32, i32
  }
  func.func @transform_5(%arg0: i32) -> (i32, i32) {
    %c0_i32 = arith.constant 0 : i32
    %c0_i32_0 = arith.constant 0 : i32
    %c0_i32_1 = arith.constant 0 : i32
    return %c0_i32, %c0_i32_0 : i32, i32
  }
  func.func @transform_6(%arg0: i32) -> (i32, i32) {
    %c0_i32 = arith.constant 0 : i32
    %c0_i32_0 = arith.constant 0 : i32
    %c0_i32_1 = arith.constant 0 : i32
    return %c0_i32, %c0_i32_0 : i32, i32
  }
  func.func @transform_7(%arg0: i32) -> (i32, i32) {
    %c0_i32 = arith.constant 0 : i32
    %c0_i32_0 = arith.constant 0 : i32
    %c0_i32_1 = arith.constant 0 : i32
    return %c0_i32, %c0_i32_0 : i32, i32
  }
  func.func @transform_8(%arg0: i32) -> (i32, i32) {
    %c0_i32 = arith.constant 0 : i32
    %c0_i32_0 = arith.constant 0 : i32
    %c0_i32_1 = arith.constant 0 : i32
    return %c0_i32, %c0_i32_0 : i32, i32
  }
  func.func @transform_9(%arg0: i32) -> (i32, i32) {
    %c0_i32 = arith.constant 0 : i32
    %c0_i32_0 = arith.constant 0 : i32
    %c0_i32_1 = arith.constant 0 : i32
    return %c0_i32, %c0_i32_0 : i32, i32
  }
  func.func @transform_10(%arg0: i32) -> (i32, i32) {
    %c0_i32 = arith.constant 0 : i32
    %c0_i32_0 = arith.constant 0 : i32
    %c0_i32_1 = arith.constant 0 : i32
    return %c0_i32, %c0_i32_0 : i32, i32
  }
  func.func @transform_11(%arg0: i32) -> (i32, i32) {
    %c0_i32 = arith.constant 0 : i32
    %c0_i32_0 = arith.constant 0 : i32
    %c0_i32_1 = arith.constant 0 : i32
    return %c0_i32, %c0_i32_0 : i32, i32
  }
  func.func @transform_12(%arg0: i32) -> (i32, i32) {
    %c0_i32 = arith.constant 0 : i32
    %c0_i32_0 = arith.constant 0 : i32
    %c0_i32_1 = arith.constant 0 : i32
    return %c0_i32, %c0_i32_0 : i32, i32
  }
  func.func @transform_13(%arg0: i32) -> (i32, i32) {
    %c0_i32 = arith.constant 0 : i32
    %c0_i32_0 = arith.constant 0 : i32
    %c0_i32_1 = arith.constant 0 : i32
    return %c0_i32, %c0_i32_0 : i32, i32
  }
  func.func @transform_14(%arg0: i32) -> (i32, i32) {
    %c0_i32 = arith.constant 0 : i32
    %c0_i32_0 = arith.constant 0 : i32
    %c0_i32_1 = arith.constant 0 : i32
    return %c0_i32, %c0_i32_0 : i32, i32
  }
  func.func @transform_15(%arg0: i32) -> (i32, i32) {
    %c0_i32 = arith.constant 0 : i32
    %c0_i32_0 = arith.constant 0 : i32
    return %arg0, %c0_i32 : i32, i32
  }
  func.func @transform_16(%arg0: i32) -> (i32, i32) {
    %c0_i32 = arith.constant 0 : i32
    %c0_i32_0 = arith.constant 0 : i32
    return %arg0, %c0_i32 : i32, i32
  }
  func.func @transform_17(%arg0: i32) -> (i32, i32) {
    %c0_i32 = arith.constant 0 : i32
    %c0_i32_0 = arith.constant 0 : i32
    return %arg0, %c0_i32 : i32, i32
  }
  func.func @transform_18(%arg0: i32) -> (i32, i32) {
    %c0_i32 = arith.constant 0 : i32
    %c0_i32_0 = arith.constant 0 : i32
    return %arg0, %c0_i32 : i32, i32
  }
  func.func @transform_19(%arg0: i32) -> (i32, i32) {
    %c0_i32 = arith.constant 0 : i32
    %c0_i32_0 = arith.constant 0 : i32
    return %arg0, %c0_i32 : i32, i32
  }
  func.func @transform_20(%arg0: i32) -> (i32, i32) {
    %c0_i32 = arith.constant 0 : i32
    %c0_i32_0 = arith.constant 0 : i32
    return %arg0, %c0_i32 : i32, i32
  }
  func.func @transform_21(%arg0: i32) -> (i32, i32) {
    %c0_i32 = arith.constant 0 : i32
    %c0_i32_0 = arith.constant 0 : i32
    return %arg0, %c0_i32 : i32, i32
  }
  func.func @transform_22(%arg0: i32) -> (i32, i32) {
    %c0_i32 = arith.constant 0 : i32
    %c0_i32_0 = arith.constant 0 : i32
    return %arg0, %c0_i32 : i32, i32
  }
}

module attributes {stable_mosaic.version = 14 : i64} {
  func.func @_ln_body(%arg0: i32, %arg1: memref<512x128xi32, #tpu.memory_space<vmem>>, %arg2: memref<512x128xi32, #tpu.memory_space<vmem>>, %arg3: memref<512x1xi32, #tpu.memory_space<vmem>>, %arg4: memref<512x64xf32, #tpu.memory_space<vmem>>, %arg5: memref<512x128xf32, #tpu.memory_space<vmem>>) attributes {dimension_semantics = [#tpu.dimension_semantics<arbitrary>], iteration_bounds = array<i64: 8>, scalar_prefetch = 0 : i64, scratch_operands = 0 : i64, tpu.core_type = #tpu.core_type<tc>, window_params = [{transform_indices = @transform_0, window_bounds = array<i64: 512, 128>}, {transform_indices = @transform_1, window_bounds = array<i64: 512, 128>}, {transform_indices = @transform_2, window_bounds = array<i64: 512, 1>}, {transform_indices = @transform_3, window_bounds = array<i64: 512, 64>}, {transform_indices = @transform_4, window_bounds = array<i64: 512, 128>}]} {
    %get3A = arith.constant 0 : index
    %get3A_0 = arith.constant 0 : index
    %get3A_1 = vector.load %arg3[%get3A, %get3A_0] : memref<512x1xi32, #tpu.memory_space<vmem>>, vector<512x1xi32>
    %get3A_2 = arith.constant 0 : index
    %get3A_3 = arith.constant 0 : index
    %get3A_4 = vector.load %arg1[%get3A_2, %get3A_3] : memref<512x128xi32, #tpu.memory_space<vmem>>, vector<512x128xi32>
    %and3A = arith.constant 3 : i32
    %and3A_5 = vector.broadcast %and3A : i32 to vector<512x1xi32>
    %and3A_6 = arith.andi %get3A_1, %and3A_5 : vector<512x1xi32>
    %lt3A = arith.constant 2 : i32
    %lt3A_7 = vector.broadcast %lt3A : i32 to vector<512x1xi32>
    %lt3A_8 = arith.cmpi slt, %and3A_6, %lt3A_7 : vector<512x1xi32>
    %eq3A = arith.constant 0 : i32
    %eq3A_9 = vector.broadcast %eq3A : i32 to vector<512x1xi32>
    %eq3A_10 = arith.cmpi eq, %and3A_6, %eq3A_9 : vector<512x1xi32>
    %slice3A = vector.extract_strided_slice %get3A_4 {offsets = [0, 0], sizes = [512, 32], strides = [1, 1]} : vector<512x128xi32> to vector<512x32xi32>
    %slice3A_11 = vector.extract_strided_slice %get3A_4 {offsets = [0, 32], sizes = [512, 32], strides = [1, 1]} : vector<512x128xi32> to vector<512x32xi32>
    %broadcast_in_dim3A = vector.shape_cast %eq3A_10 : vector<512x1xi1> to vector<512x1xi1>
    %broadcast_in_dim3A_12 = vector.broadcast %broadcast_in_dim3A : vector<512x1xi1> to vector<512x32xi1>
    %select_n3A = arith.select %broadcast_in_dim3A_12, %slice3A, %slice3A_11 : vector<512x32xi1>, vector<512x32xi32>
    %eq3A_13 = arith.constant 2 : i32
    %eq3A_14 = vector.broadcast %eq3A_13 : i32 to vector<512x1xi32>
    %eq3A_15 = arith.cmpi eq, %and3A_6, %eq3A_14 : vector<512x1xi32>
    %slice3A_16 = vector.extract_strided_slice %get3A_4 {offsets = [0, 64], sizes = [512, 32], strides = [1, 1]} : vector<512x128xi32> to vector<512x32xi32>
    %slice3A_17 = vector.extract_strided_slice %get3A_4 {offsets = [0, 96], sizes = [512, 32], strides = [1, 1]} : vector<512x128xi32> to vector<512x32xi32>
    %broadcast_in_dim3A_18 = vector.shape_cast %eq3A_15 : vector<512x1xi1> to vector<512x1xi1>
    %broadcast_in_dim3A_19 = vector.broadcast %broadcast_in_dim3A_18 : vector<512x1xi1> to vector<512x32xi1>
    %select_n3A_20 = arith.select %broadcast_in_dim3A_19, %slice3A_16, %slice3A_17 : vector<512x32xi1>, vector<512x32xi32>
    %broadcast_in_dim3A_21 = vector.shape_cast %lt3A_8 : vector<512x1xi1> to vector<512x1xi1>
    %broadcast_in_dim3A_22 = vector.broadcast %broadcast_in_dim3A_21 : vector<512x1xi1> to vector<512x32xi1>
    %select_n3A_23 = arith.select %broadcast_in_dim3A_22, %select_n3A, %select_n3A_20 : vector<512x32xi1>, vector<512x32xi32>
    %shift_left3A = arith.constant 16 : i32
    %shift_left3A_24 = vector.broadcast %shift_left3A : i32 to vector<512x32xi32>
    %shift_left3A_25 = arith.shli %select_n3A_23, %shift_left3A_24 : vector<512x32xi32>
    %bitcast_convert_type3A = tpu.bitcast %shift_left3A_25 : vector<512x32xi32> -> vector<512x32xf32>
    %and3A_26 = arith.constant -65536 : i32
    %and3A_27 = vector.broadcast %and3A_26 : i32 to vector<512x32xi32>
    %and3A_28 = arith.andi %select_n3A_23, %and3A_27 : vector<512x32xi32>
    %bitcast_convert_type3A_29 = tpu.bitcast %and3A_28 : vector<512x32xi32> -> vector<512x32xf32>
    %concatenate3A = tpu.concatenate %bitcast_convert_type3A, %bitcast_convert_type3A_29 in 1 : vector<512x32xf32>, vector<512x32xf32> -> vector<512x64xf32>
    %reduce_sum3A = arith.constant dense<0.000000e+00> : vector<512xf32>
    %reduce_sum3A_30 = vector.multi_reduction <add>, %concatenate3A, %reduce_sum3A [1] : vector<512x64xf32> to vector<512xf32>
    %broadcast_in_dim3A_31 = vector.shape_cast %reduce_sum3A_30 : vector<512xf32> to vector<512x1xf32>
    %div3A = arith.constant 6.400000e+01 : f32
    %div3A_32 = vector.broadcast %div3A : f32 to vector<512x1xf32>
    %div3A_33 = arith.divf %broadcast_in_dim3A_31, %div3A_32 : vector<512x1xf32>
    %sub3A = vector.broadcast %div3A_33 : vector<512x1xf32> to vector<512x64xf32>
    %sub3A_34 = arith.subf %concatenate3A, %sub3A : vector<512x64xf32>
    %integer_pow3A = arith.mulf %sub3A_34, %sub3A_34 : vector<512x64xf32>
    %reduce_sum3A_35 = arith.constant dense<0.000000e+00> : vector<512xf32>
    %reduce_sum3A_36 = vector.multi_reduction <add>, %integer_pow3A, %reduce_sum3A_35 [1] : vector<512x64xf32> to vector<512xf32>
    %broadcast_in_dim3A_37 = vector.shape_cast %reduce_sum3A_36 : vector<512xf32> to vector<512x1xf32>
    %div3A_38 = arith.constant 6.400000e+01 : f32
    %div3A_39 = vector.broadcast %div3A_38 : f32 to vector<512x1xf32>
    %div3A_40 = arith.divf %broadcast_in_dim3A_37, %div3A_39 : vector<512x1xf32>
    %sub3A_41 = vector.broadcast %div3A_33 : vector<512x1xf32> to vector<512x64xf32>
    %sub3A_42 = arith.subf %concatenate3A, %sub3A_41 : vector<512x64xf32>
    %add3A = arith.constant 9.99999974E-6 : f32
    %add3A_43 = vector.broadcast %add3A : f32 to vector<512x1xf32>
    %add3A_44 = arith.addf %div3A_40, %add3A_43 : vector<512x1xf32>
    %sqrt3A = math.sqrt %add3A_44 : vector<512x1xf32>
    %div3A_45 = vector.broadcast %sqrt3A : vector<512x1xf32> to vector<512x64xf32>
    %div3A_46 = arith.divf %sub3A_42, %div3A_45 : vector<512x64xf32>
    %swap3A = arith.constant 0 : index
    %swap3A_47 = arith.constant 0 : index
    %swap3A_48 = vector.load %arg4[%swap3A, %swap3A_47] : memref<512x64xf32, #tpu.memory_space<vmem>>, vector<512x64xf32>
    tpu.vector_store %arg4[%swap3A, %swap3A_47], %div3A_46 {strides = array<i32>} : memref<512x64xf32, #tpu.memory_space<vmem>>, vector<512x64xf32>,
    %get3A_49 = arith.constant 0 : index
    %get3A_50 = arith.constant 0 : index
    %get3A_51 = vector.load %arg2[%get3A_49, %get3A_50] : memref<512x128xi32, #tpu.memory_space<vmem>>, vector<512x128xi32>
    %and3A_52 = arith.constant 1 : i32
    %and3A_53 = vector.broadcast %and3A_52 : i32 to vector<512x1xi32>
    %and3A_54 = arith.andi %get3A_1, %and3A_53 : vector<512x1xi32>
    %eq3A_55 = arith.constant 1 : i32
    %eq3A_56 = vector.broadcast %eq3A_55 : i32 to vector<512x1xi32>
    %eq3A_57 = arith.cmpi eq, %and3A_54, %eq3A_56 : vector<512x1xi32>
    %slice3A_58 = vector.extract_strided_slice %get3A_51 {offsets = [0, 64], sizes = [512, 64], strides = [1, 1]} : vector<512x128xi32> to vector<512x64xi32>
    %slice3A_59 = vector.extract_strided_slice %get3A_51 {offsets = [0, 0], sizes = [512, 64], strides = [1, 1]} : vector<512x128xi32> to vector<512x64xi32>
    %broadcast_in_dim3A_60 = vector.shape_cast %eq3A_57 : vector<512x1xi1> to vector<512x1xi1>
    %broadcast_in_dim3A_61 = vector.broadcast %broadcast_in_dim3A_60 : vector<512x1xi1> to vector<512x64xi1>
    %select_n3A_62 = arith.select %broadcast_in_dim3A_61, %slice3A_58, %slice3A_59 : vector<512x64xi1>, vector<512x64xi32>
    %shift_left3A_63 = arith.constant 16 : i32
    %shift_left3A_64 = vector.broadcast %shift_left3A_63 : i32 to vector<512x64xi32>
    %shift_left3A_65 = arith.shli %select_n3A_62, %shift_left3A_64 : vector<512x64xi32>
    %bitcast_convert_type3A_66 = tpu.bitcast %shift_left3A_65 : vector<512x64xi32> -> vector<512x64xf32>
    %and3A_67 = arith.constant -65536 : i32
    %and3A_68 = vector.broadcast %and3A_67 : i32 to vector<512x64xi32>
    %and3A_69 = arith.andi %select_n3A_62, %and3A_68 : vector<512x64xi32>
    %bitcast_convert_type3A_70 = tpu.bitcast %and3A_69 : vector<512x64xi32> -> vector<512x64xf32>
    %concatenate3A_71 = tpu.concatenate %bitcast_convert_type3A_66, %bitcast_convert_type3A_70 in 1 : vector<512x64xf32>, vector<512x64xf32> -> vector<512x128xf32>
    %reduce_sum3A_72 = arith.constant dense<0.000000e+00> : vector<512xf32>
    %reduce_sum3A_73 = vector.multi_reduction <add>, %concatenate3A_71, %reduce_sum3A_72 [1] : vector<512x128xf32> to vector<512xf32>
    %broadcast_in_dim3A_74 = vector.shape_cast %reduce_sum3A_73 : vector<512xf32> to vector<512x1xf32>
    %div3A_75 = arith.constant 1.280000e+02 : f32
    %div3A_76 = vector.broadcast %div3A_75 : f32 to vector<512x1xf32>
    %div3A_77 = arith.divf %broadcast_in_dim3A_74, %div3A_76 : vector<512x1xf32>
    %sub3A_78 = vector.broadcast %div3A_77 : vector<512x1xf32> to vector<512x128xf32>
    %sub3A_79 = arith.subf %concatenate3A_71, %sub3A_78 : vector<512x128xf32>
    %integer_pow3A_80 = arith.mulf %sub3A_79, %sub3A_79 : vector<512x128xf32>
    %reduce_sum3A_81 = arith.constant dense<0.000000e+00> : vector<512xf32>
    %reduce_sum3A_82 = vector.multi_reduction <add>, %integer_pow3A_80, %reduce_sum3A_81 [1] : vector<512x128xf32> to vector<512xf32>
    %broadcast_in_dim3A_83 = vector.shape_cast %reduce_sum3A_82 : vector<512xf32> to vector<512x1xf32>
    %div3A_84 = arith.constant 1.280000e+02 : f32
    %div3A_85 = vector.broadcast %div3A_84 : f32 to vector<512x1xf32>
    %div3A_86 = arith.divf %broadcast_in_dim3A_83, %div3A_85 : vector<512x1xf32>
    %sub3A_87 = vector.broadcast %div3A_77 : vector<512x1xf32> to vector<512x128xf32>
    %sub3A_88 = arith.subf %concatenate3A_71, %sub3A_87 : vector<512x128xf32>
    %add3A_89 = arith.constant 9.99999974E-6 : f32
    %add3A_90 = vector.broadcast %add3A_89 : f32 to vector<512x1xf32>
    %add3A_91 = arith.addf %div3A_86, %add3A_90 : vector<512x1xf32>
    %sqrt3A_92 = math.sqrt %add3A_91 : vector<512x1xf32>
    %div3A_93 = vector.broadcast %sqrt3A_92 : vector<512x1xf32> to vector<512x128xf32>
    %div3A_94 = arith.divf %sub3A_88, %div3A_93 : vector<512x128xf32>
    %swap3A_95 = arith.constant 0 : index
    %swap3A_96 = arith.constant 0 : index
    %swap3A_97 = vector.load %arg5[%swap3A_95, %swap3A_96] : memref<512x128xf32, #tpu.memory_space<vmem>>, vector<512x128xf32>
    tpu.vector_store %arg5[%swap3A_95, %swap3A_96], %div3A_94 {strides = array<i32>} : memref<512x128xf32, #tpu.memory_space<vmem>>, vector<512x128xf32>,
    return
  }
  func.func @transform_0(%arg0: i32) -> (i32, i32) {
    %c0_i32 = arith.constant 0 : i32
    %c0_i32_0 = arith.constant 0 : i32
    return %arg0, %c0_i32 : i32, i32
  }
  func.func @transform_1(%arg0: i32) -> (i32, i32) {
    %c0_i32 = arith.constant 0 : i32
    %c0_i32_0 = arith.constant 0 : i32
    return %arg0, %c0_i32 : i32, i32
  }
  func.func @transform_2(%arg0: i32) -> (i32, i32) {
    %c0_i32 = arith.constant 0 : i32
    %c0_i32_0 = arith.constant 0 : i32
    return %arg0, %c0_i32 : i32, i32
  }
  func.func @transform_3(%arg0: i32) -> (i32, i32) {
    %c0_i32 = arith.constant 0 : i32
    %c0_i32_0 = arith.constant 0 : i32
    return %arg0, %c0_i32 : i32, i32
  }
  func.func @transform_4(%arg0: i32) -> (i32, i32) {
    %c0_i32 = arith.constant 0 : i32
    %c0_i32_0 = arith.constant 0 : i32
    return %arg0, %c0_i32 : i32, i32
  }
}

</mosaic_0001>

<sc_bundles>
// kernel: kernel.5.cloned.1.call-start
scs
__scs_entry_jumppad:
0x0: {  	(pc) =	sbr.rel $0x88, $3  }
0x1: {  	(tag) =	ssettag $0x0;
	lr =	simm.s32 $0x1  }
0x2: {  	[smem:$0x3F96] =	sst lr;
	_ =	strace $0xD0000000  }
0x3: {  	_ = 	snop  }
0x4: {  	_ = 	snop  }
0x5: {  	_ = 	snop  }
0x6: {  	_ = 	snop  }
0x7: {  	_ = 	snop  }
__scs_overlays_trampoline_lowered:
0x8: {  	[smem:$0x3FA5] =	sst s0  }
0x9: {  	[smem:$0x3FA6] =	sst s1  }
0xa: {  	[smem:$0x3FA7] =	sst s2  }
0xb: {  	[smem:$0x3FA8] =	sst s3  }
0xc: {  	[smem:$0x3FA9] =	sst s4  }
0xd: {  	[smem:$0x3FAA] =	sst s5  }
0xe: {  	[smem:$0x3FAB] =	sst s6  }
0xf: {  	[smem:$0x3FAC] =	sst s7  }
0x10: {  	[smem:$0x3FAD] =	sst s8  }
0x11: {  	[smem:$0x3FAE] =	sst s9;
	s0 =	simm.s32 @!p0 $0x0  }
0x12: {  	s1 =	sld [smem:$0x3F94];
	s0 =	simm.s32 @p0 $0x1  }
0x13: {  	[smem:$0x3FAF] =	sst s0;
	s0 =	simm.s32 @!p1 $0x0  }
0x14: {  	s2 =	sld [smem:$0x3F93];
	s0 =	simm.s32 @p1 $0x1  }
0x15: {  	[smem:$0x3FB0] =	sst s0;
	s0 =	simm.s32 @!p2 $0x0  }
0x16: {  	s3 =	sld [smem:$0x3FDB];
	s0 =	simm.s32 @p2 $0x1  }
0x17: {  	s4 =	simm.s32 $0x1BF5;
	[smem:$0x3FB2] =	sst s0  }
0x18: {  	s0 =	sld [smem:$0x3F95];
	_ =	swait.ge [sflag:s4], $0x0  }
0x19: {  	s7 =	sld [smem:$0x3F96]  }
0x1a: {  	s8 =	sadd.s32 $0xFFFFE003, lr  }
0x1b: {  	s9 =	sadd.s32 $0xFFFFFEF7, lr;
	s5 =	simm.s32 $0xFFFFFFFF;
	p2 =	slt.u32 s8, $0xFFFFF086  }
0x1c: {  	p1 =	slt.u32 s9, $0xF7A;
	s5 =	simm.s32 @!p2 $0x0  }
0x1d: {  	s5 =	simm.s32 @p1 $0x1;
	p0 =	seq.s32 s7, s2  }
0x1e: {  	s7 =	smul.u32 @!p0 $0xF7A, s2;
	p2 =	seq.s32 @!p0 s5, $0x0  }
0x1f: {  	s9 =	smul.u32 $0xF7A, s1;
	s8 =	simm.s32 @!p0 $0x1BF5;
	p2 =	por !p2, p0  }
0x20: {  	[sflag:s8] =	ssyncset.s32 @!p0 $0xFFFFF086;
	s6 =	sadd.s32 @!p0 s3, s7;
	s7 =	simm.s32 @!p0 $0x108  }
0x21: {  	s3 =	sadd.s32 s3, s9;
	s6 =	sadd.s32 @!p0 $0x88, s6;
	s7 =	simm.s32 @p2 $0x1082  }
0x22: {  	[simem:s7], [sflag:s8] =	dma.local @!p0 [hbm:s6], $0xF7A  }
0x23: {  	s9 =	sor.u32 $0xD0000000, s2;
	s6 =	simm.s32 $0x108;
	_ =	swait.ge @!p0 [sflag:s8], $0x0  }
0x24: {  	s3 =	sadd.s32 $0x88, s3;
	s6 =	simm.s32 @!p1 $0x1082;
	[sflag:s4] =	ssyncset.s32 $0xFFFFF086  }
0x25: {  	[simem:s6], [sflag:s4] =	dma.local [hbm:s3], $0xF7A  }
0x26: {  	[smem:$0x3F96] =	sst s1;
	(tag) =	ssettag s2;
	_ =	strace s9  }
0x27: {  	s1 =	sld [smem:$0x3FA6]  }
0x28: {  	s2 =	sld [smem:$0x3FA7]  }
0x29: {  	s4 =	sld [smem:$0x3FA9]  }
0x2a: {  	p0 =	seq.s32 s5, $0x0;
	s5 =	sld [smem:$0x3FAA]  }
0x2b: {  	s6 =	sld [smem:$0x3FAB]  }
0x2c: {  	s7 =	sld [smem:$0x3FAC]  }
0x2d: {  	s3 =	simm.s32 $0x108;
	s8 =	sld [smem:$0x3FAD]  }
0x2e: {  	s3 =	simm.s32 @!p0 $0x1082;
	s9 =	sld [smem:$0x3FAE]  }
0x2f: {  	lr =	sadd.s32 s0, s3;
	s0 =	sld [smem:$0x3FA5]  }
0x30: {  	s3 =	sld [smem:$0x3FA8]  }
0x31: {  	[smem:$0x3FB1] =	sst s10  }
0x32: {  	s10 =	sld [smem:$0x3FAF];
	_ =	sdelay $0x3  }
0x33: {  	p0 =	seq.s32 s10, $0x1;
	s10 =	sld [smem:$0x3FB1];
	_ =	sdelay $0x3  }
0x34: {  	[smem:$0x3FB1] =	sst s10  }
0x35: {  	s10 =	sld [smem:$0x3FB0];
	_ =	sdelay $0x3  }
0x36: {  	p1 =	seq.s32 s10, $0x1;
	s10 =	sld [smem:$0x3FB1];
	_ =	sdelay $0x3  }
0x37: {  	[smem:$0x3FB1] =	sst s10  }
0x38: {  	s10 =	sld [smem:$0x3FB2]  }
0x39: {  	_ = 	snop;
	(pc) =	sbr.ind lr, $3  }
0x3a: {  	_ = 	snop  }
0x3b: {  	_ = 	snop  }
0x3c: {  	p2 =	seq.s32 s10, $0x1;
	s10 =	sld [smem:$0x3FB1]  }
0x3d: {  	_ =	shalt  }
0x3e: {  	_ =	shalt  }
0x3f: {  	_ =	shalt  }
0x40: {  	_ =	shalt  }
0x41: {  	_ =	shalt  }
0x42: {  	_ =	shalt  }
0x43: {  	_ =	shalt  }
0x44: {  	_ =	shalt  }
0x45: {  	_ =	shalt  }
0x46: {  	_ =	shalt  }
0x47: {  	_ =	shalt  }
0x48: {  	_ =	shalt  }
0x49: {  	_ =	shalt  }
0x4a: {  	_ =	shalt  }
0x4b: {  	_ =	shalt  }
0x4c: {  	_ =	shalt  }
0x4d: {  	_ =	shalt  }
0x4e: {  	_ =	shalt  }
0x4f: {  	_ =	shalt  }
0x50: {  	_ =	shalt  }
0x51: {  	_ =	shalt  }
0x52: {  	_ =	shalt  }
0x53: {  	_ =	shalt  }
0x54: {  	_ =	shalt  }
0x55: {  	_ =	shalt  }
0x56: {  	_ =	shalt  }
0x57: {  	_ =	shalt  }
0x58: {  	_ =	shalt  }
0x59: {  	_ =	shalt  }
0x5a: {  	_ =	shalt  }
0x5b: {  	_ =	shalt  }
0x5c: {  	_ =	shalt  }
0x5d: {  	_ =	shalt  }
0x5e: {  	_ =	shalt  }
0x5f: {  	_ =	shalt  }
0x60: {  	_ =	shalt  }
0x61: {  	_ =	shalt  }
0x62: {  	_ =	shalt  }
0x63: {  	_ =	shalt  }
0x64: {  	_ =	shalt  }
0x65: {  	_ =	shalt  }
0x66: {  	_ =	shalt  }
0x67: {  	_ =	shalt  }
0x68: {  	_ =	shalt  }
0x69: {  	_ =	shalt  }
0x6a: {  	_ =	shalt  }
0x6b: {  	_ =	shalt  }
0x6c: {  	_ =	shalt  }
0x6d: {  	_ =	shalt  }
0x6e: {  	_ =	shalt  }
0x6f: {  	_ =	shalt  }
0x70: {  	_ =	shalt  }
0x71: {  	_ =	shalt  }
0x72: {  	_ =	shalt  }
0x73: {  	_ =	shalt  }
0x74: {  	_ =	shalt  }
0x75: {  	_ =	shalt  }
0x76: {  	_ =	shalt  }
0x77: {  	_ =	shalt  }
0x78: {  	_ =	shalt  }
0x79: {  	_ =	shalt  }
0x7a: {  	_ =	shalt  }
0x7b: {  	_ =	shalt  }
0x7c: {  	_ =	shalt  }
0x7d: {  	_ =	shalt  }
0x7e: {  	_ =	shalt  }
0x7f: {  	_ =	shalt  }
0x80: {  	_ =	shalt  }
0x81: {  	_ =	shalt  }
0x82: {  	_ =	shalt  }
0x83: {  	_ =	shalt  }
0x84: {  	_ =	shalt  }
0x85: {  	_ =	shalt  }
0x86: {  	_ =	shalt  }
0x87: {  	_ =	shalt  }
.Lfunc_end0:
.L_simem_size_0:
called_computation_lowered:
.L_overlay_start_0:
0x88: {  	s2 =	sld [smem:$0x3FD9]  }
0x89: {  	s3 =	sld [smem:$0x3FFE];
	_ =	sdelay $0x1  }
0x8a: {  	s1 =	srdreg.scid  }
0x8b: {  	s0 =	sand.u32 $0x1, s1  }
0x8c: {  	s14 =	sshll.u32 s0, $0xA;
	s2 =	sadd.s32 s3, s2  }
0x8d: {  	s2 =	sadd.s32 s2, s14  }
0x8e: {  	[smem:$0x3FBD] =	sst s2  }
0x8f: {  	_ = 	snop  }
0x90: {  	s2 =	sld [smem:$0x3FD0];
	_ =	sdelay $0x2  }
0x91: {  	s15 =	simm.s32 $0xA;
	s4 =	simm.s32 $0x10  }
0x92: {  	[smem:s4], [sflag:s15] =	dma.local [hbm:s2], $0x1  }
0x93: {  	_ =	swait.eq [sflag:s15], $0x1  }
0x94: {  	[sflag:s15] =	ssyncset.done $0x0  }
0x95: {  	s16 =	sld [smem:$0x11];
	[sflag:s15] =	ssyncadd.s32 $0xFFFFFFFF  }
0x96: {  	s17 =	sld [smem:$0x12];
	(tm) =	ssettm $0x1  }
0x97: {  	s18 =	sld [smem:$0x3FFB];
	_ =	sdelay $0x3  }
0x98: {  	_ =	strace s18  }
0x99: {  	s4 =	sld [smem:$0x3FFC];
	_ =	sdelay $0x3  }
0x9a: {  	_ =	strace s4  }
0x9b: {  	s4 =	sld [smem:$0x3FFD];
	_ =	sdelay $0x3  }
0x9c: {  	_ =	strace s4  }
0x9d: {  	_ =	strace $0x8FFFFFFF  }
0x9e: {  	s19 =	sld [smem:$0x3FDB];
	_ =	sdelay $0x1  }
0x9f: {  	s5 =	simm.s32 $_scs_section_size  }
0xa0: {  	s6 =	simm.s32 $_size__tile_overlayer_lowered;
	s7 =	simm.s32 $_tile_overlayer_lowered  }
0xa1: {  	s22 =	simm.s32 $0x1BFF;
	s21 =	sshll.u32 s7, $0x1;
	s4 =	sadd.s32 s5, s19  }
0xa2: {  	s8 =	simm.s32 $0x0;
	s20 =	sshll.u32 s6, $0x1;
	s6 =	sadd.s32 s21, s4  }
0xa3: {  	[timem:s8], [sflag:s22] =	dma.local [hbm:s6], s20  }
0xa4: {  	_ =	swait.ge [sflag:s22], s20  }
0xa5: {  	s5 =	ssub.s32 $0x0, s20;
	[sflag:s22] =	ssyncset.done $0x0  }
0xa6: {  	[sflag:s22] =	ssyncadd.s32 s5;
	_ =	sdelay $0x1  }
0xa7: {  	s23 =	simm.s32 $0x1B8B  }
0xa8: {  	_ =	swait.ge [sflag:s23], $0x1  }
0xa9: {  	[sflag:s23] =	ssyncset.done $0x0  }
0xaa: {  	s25 =	simm.s32 $0x1B8E;
	s24 =	sld [smem:$0x3FFE];
	[sflag:s23] =	ssyncadd.s32 $0xFFFFFFFF  }
0xab: {  	s26 =	simm.s32 $execute0_lowered;
	[smem:$0x3FD2] =	sst s25  }
0xac: {  	s6 =	sshll.u32 s26, $0x1;
	_ =	strace $0x80000046;
	[dreg:$0x1] =	wrdreg $0xFFFFFFFF  }
0xad: {  	s28 =	simm.s32 $_size_execute0_lowered;
	s4 =	sadd.s32 s4, s6;
	[dreg:$0x0] =	wrdreg $0x0  }
0xae: {  	s6 =	sshll.u32 s28, $0x1;
	[dreg:$0x2] =	wrdreg s4  }
0xaf: {  	[dreg:$0x3] =	wrdreg s6  }
0xb0: {  	[dreg:$0x4] =	wrdreg $0xC0  }
0xb1: {  	_ =	task [dreg:s8], $0x5FFFF  }
0xb2: {  	[dreg:$0x1] =	wrdreg $0xFFFFFFFF  }
0xb3: {  	[dreg:$0x0] =	wrdreg $0x60  }
0xb4: {  	[dreg:$0x2] =	wrdreg s24  }
0xb5: {  	[dreg:$0x3] =	wrdreg s16  }
0xb6: {  	[dreg:$0x4] =	wrdreg s17  }
0xb7: {  	[dreg:$0x5] =	wrdreg $0x9  }
0xb8: {  	_ =	task.clear_ibuf [dreg:s8], $0x6FFFF;
	_ =	strace $0x90000046  }
0xb9: {  	s29 =	simm.s32 $0x9;
	_ =	strace $0x8000004F  }
0xba: {  	_ =	swait.ge [sflag:s29], $0x1  }
0xbb: {  	[sflag:s29] =	ssyncadd.s32 $0xFFFFFFFF  }
0xbc: {  	_ =	strace $0x9000004F  }
0xbd: {  	_ =	sfence  }
0xbe: {  	s30 =	sld [smem:$0x0];
	_ =	sdelay $0x2  }
0xbf: {  	s31 =	sshll.u32 s1, $0xD;
	s1 =	sshrl.u32 s1, $0x2  }
0xc0: {  	s3 =	sand.u32 $0x4000, s31;
	s1 =	sadd.s32 s1, s30  }
0xc1: {  	s0 =	sor.u32 s3, s0;
	s1 =	sshll.u32 s1, $0x11  }
0xc2: {  	s0 =	sor.u32 s1, s0  }
0xc3: {  	s0 =	sadd.s32 $0x8F2B, s0  }
0xc4: {  	[sflag:s0] =	ssyncadd.remote.s32 $0x1  }
0xc5: {  	_ =	sfence.sel $0xFFFF  }
0xc6: {  	[dreg:$0x0] =	wrdreg $0xFFFFFFFF;
	(pc) =	sbr.abs _section_cstart, $3  }
0xc7: {  	[dreg:$0x1] =	wrdreg $0xFFFFFFFF  }
0xc8: {  	_ =	task.clear_ibuf [dreg:s8], $0x2FFFF;
	_ =	strace $0x9FFFFFFF  }
0xc9: {  	(tm) =	ssettm $0x7FFFFFFF  }
tec
execute0_lowered:
.L_overlay_start_1:
0x0: {  	(tag) =	ssettag $0x1  }
0x1: {  	s15 =	rddreg [dreg:$0x0]  }
0x2: {  	s3 =	rddreg [dreg:$0x1];
	s2 =	srdreg.scid  }
0x3: {  	s14 =	rddreg [dreg:$0x2];
	s1 =	stileid.u32;
	s17 =	sand.u32 $0x1, s2  }
0x4: {  	s2 =	simm.s32 $0x0;
	s5 =	sshll.u32 s1, $0x7;
	s4 =	sshll.u32 s17, $0xB  }
0x5: {  	[smem:$0x7FF] =	sst s2;
	s16 =	sor.u32 s5, s4  }
0x6: {  	s0 =	rddreg [dreg:$0x3];
	_ =	strace $0x80000047;
	s4 =	sshrl.u32 s16, $0x3  }
0x7: {  	_ =	strace $0x80000048;
	s31 =	sadd.s32 s4, s15;
	s3 =	sadd.s32 s3, s4  }
0x8: {  	[tilespmem:s2], [sflag:$0x1] =	stream.linear.gather [hbm4b:s3+s2], $0x80, $0x200038;
	[tilespmem:$0x10200] =	vst v63  }
0x9: {  	s5 =	simm.s32 $0x100;
	s4 =	sadd.s32 $0x2600, s31  }
0xa: {  	[tilespmem:s5], [sflag:$0x3] =	stream.linear.gather [hbm4b:s4+s2], $0x80, $0x200038;
	[tilespmem:$0x10200] =	vst v63  }
0xb: {  	_ =	strace $0x90000048  }
0xc: {  	s6 =	simm.s32 $0x1;
	_ =	strace $0x80000049  }
0xd: {  	_ =	swait.ge [sflag:s6], $0x80  }
0xe: {  	[sflag:s6] =	ssyncset.done $0x0  }
0xf: {  	[sflag:s6] =	ssyncadd.s32 $0xFFFFFF80  }
0x10: {  	_ =	strace $0x90000049  }
0x11: {  	s7 =	simm.s32 $0x3;
	_ =	strace $0x8000004A  }
0x12: {  	_ =	swait.ge [sflag:s7], $0x80  }
0x13: {  	[sflag:s7] =	ssyncset.done $0x0  }
0x14: {  	[sflag:s7] =	ssyncadd.s32 $0xFFFFFF80  }
0x15: {  	s9 =	simm.s32 $0x80;
	s10 =	simm.s32 $0x200;
	_ =	strace $0x9000004A  }
0x16: {  	s11 =	simm.s32 $0x9;
	s8 =	sadd.s32 $0xE2600, s15;
	_ =	strace $0x8000004B  }
0x17: {  	[tilespmem:s10], [sflag:$0x9] =	stream.indirect.gather [hbm4b:s8+s9], $0x80, s2, s9, $0x2000b8;
	[tilespmem:$0x10200] =	vst v63  }
0x18: {  	_ =	swait.ge [sflag:s11], $0x4000  }
0x19: {  	[sflag:s11] =	ssyncset.done $0x0  }
0x1a: {  	s13 =	simm.s32 $0x8200;
	s12 =	sadd.s32 $0x2800, s15;
	[sflag:s11] =	ssyncadd.s32 $0xFFFFC000  }
0x1b: {  	[tilespmem:s13], [sflag:$0x9] =	stream.indirect.gather [hbm4b:s12+s9], $0x80, s5, s9, $0x2000b8;
	[tilespmem:$0x10200] =	vst v63  }
0x1c: {  	_ =	swait.ge [sflag:s11], $0x4000  }
0x1d: {  	[sflag:s11] =	ssyncset.done $0x0  }
0x1e: {  	[sflag:s11] =	ssyncadd.s32 $0xFFFFC000  }
0x1f: {  	s16 =	sshll.u32 s16, $0x4;
	_ =	strace $0x9000004B  }
0x20: {  	s14 =	sadd.s32 s14, s16;
	_ =	strace $0x8000004C  }
0x21: {  	[hbm4b:s14+s2] =	stream.linear.scatter [tilespmem:s10], [sflag:$0x5], $0x4000, $0x200038;
	[tilespmem:$0x10200] =	vst v63  }
0x22: {  	s17 =	ssub.s32 $0x2, s17;
	s15 =	sadd.s32 s16, s15;
	_ =	strace $0x9000004C  }
0x23: {  	s18 =	sshrl.u32 s17, $0x1;
	s15 =	sadd.s32 $0x82800, s15;
	_ =	strace $0x8000004D  }
0x24: {  	[hbm4b:s15+s2] =	stream.linear.scatter [tilespmem:s13], [sflag:$0x7], $0x4000, $0x200038;
	[tilespmem:$0x10200] =	vst v63  }
0x25: {  	s18 =	ssub.s32 s17, s18;
	_ =	strace $0x9000004D  }
0x26: {  	s16 =	simm.s32 $0x5;
	s18 =	smax.u32 s18, $0x1;
	_ =	strace $0x8000004E  }
0x27: {  	p0 =	sne.s32 s18, $0x1;
	_ =	swait.ge [sflag:s16], $0x4000  }
.Ltmp0:
0x28: {  	[sflag:s16] =	ssyncset.done $0x0;
	(pc) =	sbr.rel @!p0 .LBB2_2-.Ltmp0, $4  }
0x29: {  	s17 =	simm.s32 $0x7;
	[sflag:s16] =	ssyncadd.s32 $0xFFFFC000  }
0x2a: {  	_ =	swait.ge [sflag:s17], $0x4000  }
0x2b: {  	[sflag:s17] =	ssyncset.done $0x0  }
0x2c: {  	s18 =	sadd.s32 $0xFFFFFFFF, s18;
	[sflag:s17] =	ssyncadd.s32 $0xFFFFC000  }
.LBB2_1:
0x2d: {  	p0 =	sne.s32 s18, $0x1;
	s18 =	sadd.s32 $0xFFFFFFFF, s18;
	_ =	strace $0x9000004E  }
0x2e: {  	_ =	strace $0x80000048  }
0x2f: {  	[tilespmem:s2], [sflag:$0x1] =	stream.linear.gather [hbm4b:s3+s2], $0x80, $0x200038;
	[tilespmem:$0x10200] =	vst v63  }
0x30: {  	_ = 	snop  }
0x31: {  	[tilespmem:s5], [sflag:$0x3] =	stream.linear.gather [hbm4b:s4+s2], $0x80, $0x200038;
	[tilespmem:$0x10200] =	vst v63  }
0x32: {  	_ =	strace $0x90000048  }
0x33: {  	_ =	strace $0x80000049  }
0x34: {  	_ =	swait.ge [sflag:s6], $0x80  }
0x35: {  	[sflag:s6] =	ssyncset.done $0x0  }
0x36: {  	[sflag:s6] =	ssyncadd.s32 $0xFFFFFF80  }
0x37: {  	_ =	strace $0x90000049  }
0x38: {  	_ =	strace $0x8000004A  }
0x39: {  	_ =	swait.ge [sflag:s7], $0x80  }
0x3a: {  	[sflag:s7] =	ssyncset.done $0x0  }
0x3b: {  	[sflag:s7] =	ssyncadd.s32 $0xFFFFFF80  }
0x3c: {  	_ =	strace $0x9000004A  }
0x3d: {  	_ =	strace $0x8000004B  }
0x3e: {  	[tilespmem:s10], [sflag:$0x9] =	stream.indirect.gather [hbm4b:s8+s9], $0x80, s2, s9, $0x2000b8;
	[tilespmem:$0x10200] =	vst v63  }
0x3f: {  	_ =	swait.ge [sflag:s11], $0x4000  }
0x40: {  	[sflag:s11] =	ssyncset.done $0x0  }
0x41: {  	[sflag:s11] =	ssyncadd.s32 $0xFFFFC000  }
0x42: {  	[tilespmem:s13], [sflag:$0x9] =	stream.indirect.gather [hbm4b:s12+s9], $0x80, s5, s9, $0x2000b8;
	[tilespmem:$0x10200] =	vst v63  }
0x43: {  	_ =	swait.ge [sflag:s11], $0x4000  }
0x44: {  	[sflag:s11] =	ssyncset.done $0x0  }
0x45: {  	[sflag:s11] =	ssyncadd.s32 $0xFFFFC000  }
0x46: {  	_ =	strace $0x9000004B  }
0x47: {  	_ =	strace $0x8000004C  }
0x48: {  	[hbm4b:s14+s2] =	stream.linear.scatter [tilespmem:s10], [sflag:$0x5], $0x4000, $0x200038;
	[tilespmem:$0x10200] =	vst v63  }
0x49: {  	_ =	strace $0x9000004C  }
0x4a: {  	_ =	strace $0x8000004D  }
0x4b: {  	[hbm4b:s15+s2] =	stream.linear.scatter [tilespmem:s13], [sflag:$0x7], $0x4000, $0x200038;
	[tilespmem:$0x10200] =	vst v63  }
0x4c: {  	_ =	strace $0x9000004D  }
0x4d: {  	_ =	strace $0x8000004E  }
0x4e: {  	_ =	swait.ge [sflag:s16], $0x4000  }
.Ltmp1:
0x4f: {  	[sflag:s16] =	ssyncset.done $0x0;
	(pc) =	sbr.rel @p0 .LBB2_1-.Ltmp1, $4  }
0x50: {  	[sflag:s16] =	ssyncadd.s32 $0xFFFFC000  }
0x51: {  	_ =	swait.ge [sflag:s17], $0x4000  }
0x52: {  	[sflag:s17] =	ssyncset.done $0x0  }
0x53: {  	[sflag:s17] =	ssyncadd.s32 $0xFFFFC000  }
.LBB2_2:
0x54: {  	_ =	strace $0x9000004E  }
0x55: {  	_ =	sfence.sel $0x180000  }
0x56: {  	[bflag:$0x0] =	sbarrier.arrive $0xFFFF  }
0x57: {  	p0 =	sne.s32 s1, $0x0;
	_ =	strace $0x90000047  }
0x58: {  	s0 =	sadd.s32 @!p0 $0x100000, s0;
	[bflag:$0x2] =	sbarrier.arrive $0xFFFF  }
0x59: {  	[sflag:s0] =	ssyncadd.tile.s32 @!p0 $0x1;
	_ =	shalt  }
.Lfunc_end2:
_tile_overlayer_lowered:
.L_overlay_start_2:
0x5a: {  	(tag) =	ssettag $0x2  }
0x5b: {  	s0 =	rddreg [dreg:$0x0];
	s2 =	stileid.u32  }
0x5c: {  	s1 =	rddreg [dreg:$0x1];
	p0 =	sne.s32 s2, $0x0  }
0x5d: {  	s3 =	rddreg [dreg:$0x2];
	[bflag:$0x3] =	sbarrier.arrive $0xFFFF;
	s2 =	simm.s32 @!p0 $0x1C01  }
0x5e: {  	[timem:s3], [sflag:s2] =	dma.local @!p0 [hbm:s0], s1  }
0x5f: {  	s0 =	simm.s32 @!p0 $0x1  }
0x60: {  	_ =	swait.ge @!p0 [sflag:s0], s1  }
0x61: {  	s1 =	ssub.s32 @!p0 $0x0, s1;
	[sflag:s0] =	ssyncset.done @!p0 $0x0  }
0x62: {  	[sflag:s0] =	ssyncadd.s32 @!p0 s1  }
0x63: {  	[bflag:$0x3] =	sbarrier.arrive $0xFFFF  }
0x64: {  	_ =	shalt  }

</sc_bundles>
